<compile_context>
chip_gen: v7x
topology: tpu7x:2x2x1
jax: 0.10.2.dev20260603
libtpu: 0.0.44.dev20260713+nightly
codegen_flags: <defaults>
</compile_context>

<pallas_src>
import functools

import jax
import jax.numpy as jnp
from jax import lax
from jax.experimental import pallas as pl
from jax.experimental.pallas import tpu as pltpu
from jax.experimental.pallas import tpu_sc as plsc

B = 4096
D = 1024
E = 16
K = 2
L0, L1, L2 = 512, 256, 128
TASK_HIDDEN = 64
ALPHA = 0.01
EPS = 1e-5

BLK = 256
NB = 48
NPAD = NB * BLK
NA = B * K

NC = 2
NS = 16
NW = NC * NS
LANES = 16


def _sc_mesh():
    return plsc.VectorSubcoreMesh(core_axis_name="c", subcore_axis_name="s")


def _wid():
    return lax.axis_index("s") * NC + lax.axis_index("c")


GB = 512


def _gate_body(x_ref, wg_ref, bg_ref, meta_ref, acc_ref):
    x = x_ref[...]
    logits = jnp.dot(x, wg_ref[...], preferred_element_type=jnp.float32)
    logits = logits + bg_ref[...]
    cols = lax.broadcasted_iota(jnp.int32, (GB, E), 1)
    m1 = jnp.max(logits, axis=1, keepdims=True)
    i1 = jnp.min(jnp.where(logits == m1, cols, E), axis=1, keepdims=True)
    masked = jnp.where(cols == i1, -jnp.inf, logits)
    m2 = jnp.max(masked, axis=1, keepdims=True)
    i2 = jnp.min(jnp.where(masked == m2, cols, E), axis=1, keepdims=True)
    d = jnp.exp(m2 - m1)
    w1 = 1.0 / (1.0 + d)
    w2 = d * w1
    p = jnp.exp(logits - m1)
    p = p / jnp.sum(p, axis=1, keepdims=True)
    oh = ((cols == i1) | (cols == i2)).astype(jnp.float32)
    part = jnp.concatenate([jnp.sum(oh, axis=0, keepdims=True),
                            jnp.sum(p, axis=0, keepdims=True)], axis=0)

    @pl.when(pl.program_id(0) == 0)
    def _():
        acc_ref[...] = jnp.zeros((2, E), jnp.float32)

    acc_ref[...] += part
    meta_ref[...] = jnp.concatenate(
        [i1.astype(jnp.float32), i2.astype(jnp.float32), w1, w2,
         jnp.zeros((GB, 4), jnp.float32)], axis=1)


def _gate(x, wg, bg):
    return pl.pallas_call(
        _gate_body,
        grid=(B // GB,),
        in_specs=[pl.BlockSpec((GB, D), lambda i: (i, 0)),
                  pl.BlockSpec((D, E), lambda i: (0, 0)),
                  pl.BlockSpec((1, E), lambda i: (0, 0))],
        out_specs=(pl.BlockSpec((GB, 8), lambda i: (i, 0)),
                   pl.BlockSpec((2, E), lambda i: (0, 0))),
        out_shape=(jax.ShapeDtypeStruct((B, 8), jnp.float32),
                   jax.ShapeDtypeStruct((2, E), jnp.float32)),
    )(x, wg, bg.reshape(1, E))


_S_CHUNK = 32


def _sc_dispatch_scatter(x, dest_even, dest_odd):
    toks_per_w = B // NW
    n_chunks = toks_per_w // _S_CHUNK

    @functools.partial(
        pl.kernel,
        mesh=_sc_mesh(),
        out_type=jax.ShapeDtypeStruct((NPAD, D), jnp.float32),
        scratch_types=[
            pltpu.VMEM((_S_CHUNK,), jnp.int32),
            pltpu.VMEM((_S_CHUNK,), jnp.int32),
            pltpu.VMEM((_S_CHUNK, D), jnp.float32),
            pltpu.VMEM((_S_CHUNK,), jnp.int32),
            pltpu.VMEM((_S_CHUNK,), jnp.int32),
            pltpu.VMEM((_S_CHUNK, D), jnp.float32),
            pltpu.SemaphoreType.DMA,
        ],
    )
    def k(x_hbm, de_hbm, do_hbm, xg_hbm,
          ide0, ido0, rows0, ide1, ido1, rows1, sem):
        tbase = _wid() * toks_per_w
        bufs = ((ide0, ido0, rows0), (ide1, ido1, rows1))
        off = tbase
        pltpu.sync_copy(x_hbm.at[pl.ds(off, _S_CHUNK)], rows0)
        pltpu.sync_copy(de_hbm.at[pl.ds(off, _S_CHUNK)], ide0)
        pltpu.sync_copy(do_hbm.at[pl.ds(off, _S_CHUNK)], ido0)
        pend = []
        for c in range(n_chunks):
            ide, ido, rows = bufs[c % 2]
            pend.append(pltpu.async_copy(rows, xg_hbm.at[ide], sem))
            pend.append(pltpu.async_copy(rows, xg_hbm.at[ido], sem))
            if c + 1 < n_chunks:
                nide, nido, nrows = bufs[(c + 1) % 2]
                noff = tbase + (c + 1) * _S_CHUNK
                pltpu.sync_copy(x_hbm.at[pl.ds(noff, _S_CHUNK)], nrows)
                pltpu.sync_copy(de_hbm.at[pl.ds(noff, _S_CHUNK)], nide)
                pltpu.sync_copy(do_hbm.at[pl.ds(noff, _S_CHUNK)], nido)
        for dma in pend:
            dma.wait()

    return k(x, dest_even, dest_odd)


def _mlp_body(be_ref, xg_ref, w0_ref, b0_ref, g0_ref, t0_ref,
              w1_ref, b1_ref, g1_ref, t1_ref,
              w2_ref, b2_ref, g2_ref, t2_ref, out_ref):
    del be_ref
    h = xg_ref[...]
    for w_ref, b_ref, g_ref, t_ref in (
            (w0_ref, b0_ref, g0_ref, t0_ref),
            (w1_ref, b1_ref, g1_ref, t1_ref),
            (w2_ref, b2_ref, g2_ref, t2_ref)):
        h = jnp.dot(h, w_ref[0], preferred_element_type=jnp.float32)
        h = h + b_ref[0]
        n = h.shape[1]
        mu = jnp.sum(h, axis=1, keepdims=True) * (1.0 / n)
        var = jnp.sum(h * h, axis=1, keepdims=True) * (1.0 / n) - mu * mu
        a = jax.lax.rsqrt(var + EPS)
        h = (h * a - mu * a) * g_ref[0] + t_ref[0]
        h = jnp.maximum(h, 0.0)
    out_ref[...] = h


def _grouped_mlp(xg, block_e, p):
    def xmap(i, be):
        del be
        return (i, 0)

    def wmap(i, be):
        return (be[i], 0, 0)

    grid_spec = pltpu.PrefetchScalarGridSpec(
        num_scalar_prefetch=1,
        grid=(NB,),
        in_specs=[
            pl.BlockSpec((BLK, D), xmap),
            pl.BlockSpec((1, D, L0), wmap), pl.BlockSpec((1, 1, L0), wmap),
            pl.BlockSpec((1, 1, L0), wmap), pl.BlockSpec((1, 1, L0), wmap),
            pl.BlockSpec((1, L0, L1), wmap), pl.BlockSpec((1, 1, L1), wmap),
            pl.BlockSpec((1, 1, L1), wmap), pl.BlockSpec((1, 1, L1), wmap),
            pl.BlockSpec((1, L1, L2), wmap), pl.BlockSpec((1, 1, L2), wmap),
            pl.BlockSpec((1, 1, L2), wmap), pl.BlockSpec((1, 1, L2), wmap),
        ],
        out_specs=pl.BlockSpec((BLK, L2), xmap),
    )
    return pl.pallas_call(
        _mlp_body,
        grid_spec=grid_spec,
        out_shape=jax.ShapeDtypeStruct((NPAD, L2), jnp.float32),
    )(block_e, xg,
      p['We0'], p['be0'][:, None], p['ge0'][:, None], p['bte0'][:, None],
      p['We1'], p['be1'][:, None], p['ge1'][:, None], p['bte1'][:, None],
      p['We2'], p['be2'][:, None], p['ge2'][:, None], p['bte2'][:, None])


HB = 1024


def _heads_body(a_ref, b_ref, m_ref, w0_ref, b0_ref, w1_ref, b1_ref,
                f_ref, o_ref):
    final = m_ref[:, 2:3] * a_ref[...] + m_ref[:, 3:4] * b_ref[...]
    f_ref[...] = final
    ht = jnp.dot(final, w0_ref[...], preferred_element_type=jnp.float32)
    ht = jnp.maximum(ht + b0_ref[...], 0.0)
    o_ref[...] = jnp.dot(ht, w1_ref[...],
                         preferred_element_type=jnp.float32) + b1_ref[...]


def _heads(ha, hb, meta, w0c, b0c, w1c, b1c):
    return pl.pallas_call(
        _heads_body,
        grid=(B // HB,),
        in_specs=[pl.BlockSpec((HB, L2), lambda i: (i, 0)),
                  pl.BlockSpec((HB, L2), lambda i: (i, 0)),
                  pl.BlockSpec((HB, 8), lambda i: (i, 0)),
                  pl.BlockSpec((L2, 2 * TASK_HIDDEN), lambda i: (0, 0)),
                  pl.BlockSpec((1, 2 * TASK_HIDDEN), lambda i: (0, 0)),
                  pl.BlockSpec((2 * TASK_HIDDEN, 8), lambda i: (0, 0)),
                  pl.BlockSpec((1, 8), lambda i: (0, 0))],
        out_specs=(pl.BlockSpec((HB, L2), lambda i: (i, 0)),
                   pl.BlockSpec((HB, 8), lambda i: (i, 0))),
        out_shape=(jax.ShapeDtypeStruct((B, L2), jnp.float32),
                   jax.ShapeDtypeStruct((B, 8), jnp.float32)),
    )(ha, hb, meta, w0c, b0c, w1c, b1c)


def _route(meta):
    i1 = meta[:, 0].astype(jnp.int32)
    i2 = meta[:, 1].astype(jnp.int32)
    flat_e = jnp.stack([i1, i2], axis=1).reshape(-1)
    oh = (flat_e[:, None] == jnp.arange(E, dtype=jnp.int32)[None, :]
          ).astype(jnp.int32)
    counts = jnp.sum(oh, axis=0)
    rank = jnp.sum((jnp.cumsum(oh, axis=0) - oh) * oh, axis=1)
    padded = ((counts + BLK - 1) // BLK) * BLK
    ends = jnp.cumsum(padded)
    pad_off = ends - padded
    off = jnp.dot(oh.astype(jnp.float32), pad_off.astype(jnp.float32))
    dest = off.astype(jnp.int32) + rank
    starts = jnp.arange(NB, dtype=jnp.int32)[:, None] * BLK
    block_e = jnp.minimum(
        jnp.sum((starts >= ends[None, :]).astype(jnp.int32), axis=1),
        E - 1).astype(jnp.int32)
    return dest, block_e


def kernel(x, params):
    p = params
    meta, acc = _gate(x, p['Wg'], p['bg'])
    lb = ALPHA * jnp.sum(acc[0] * acc[1]) / (B * B)
    dest, block_e = _route(meta)

    dpair = dest.reshape(B, K)
    xg = _sc_dispatch_scatter(x, dpair[:, 0], dpair[:, 1])
    h2 = _grouped_mlp(xg, block_e, p)
    ha = jnp.take(h2, dpair[:, 0], axis=0)
    hb = jnp.take(h2, dpair[:, 1], axis=0)

    w0c = jnp.concatenate([p['Wt0_0'], p['Wt1_0']], axis=1)
    b0c = jnp.concatenate([p['bt0_0'], p['bt1_0']]).reshape(1, 2 * TASK_HIDDEN)
    w1c = jnp.concatenate([jnp.pad(p['Wt0_1'], ((0, 0), (0, 7))),
                           jnp.pad(p['Wt1_1'], ((0, 0), (1, 6)))], axis=0)
    b1c = jnp.pad(jnp.concatenate([p['bt0_1'], p['bt1_1']]),
                  (0, 6)).reshape(1, 8)
    final, outs = _heads(ha, hb, meta, w0c, b0c, w1c, b1c)
    return (outs[:, 0:1], outs[:, 1:2], final, lb)

# --- scband reference (transcript-rebuilt; emitter-appended) ---
"""Pipeline reference for scband-mo-emodel-78615081386104 (READ-ONLY COPY).

The authoritative reference and input builder live on the scoring server;
editing this copy changes nothing except your own understanding.
"""

import jax, jax.numpy as jnp
import numpy as np

B = 4096
D = 1024
E = 16
K = 2
EXPERT_LAYERS = [512, 256, 128]
TASK_HIDDEN = 64
OUT_DIMS = [1, 1]
ALPHA = 0.01
EPS = 1e-5


def _layernorm(h, g, b):
    mu = jnp.mean(h, axis=-1, keepdims=True)
    var = jnp.var(h, axis=-1, keepdims=True)
    return (h - mu) / jnp.sqrt(var + EPS) * g + b


def setup_inputs(seed: int = 0):
    key = jax.random.key(seed)
    ks = jax.random.split(key, 40)
    x = jax.random.normal(ks[0], (B, D), dtype=jnp.float32)
    params = {}
    params['Wg'] = jax.random.normal(ks[1], (D, E), dtype=jnp.float32) * 0.02
    params['bg'] = jnp.zeros((E,), jnp.float32)
    dims = [D] + EXPERT_LAYERS
    kidx = 2
    for l in range(len(EXPERT_LAYERS)):
        params['We%d' % l] = jax.random.normal(ks[kidx], (E, dims[l], dims[l + 1]), dtype=jnp.float32) * 0.02
        kidx += 1
        params['be%d' % l] = jnp.zeros((E, dims[l + 1]), jnp.float32)
        params['ge%d' % l] = jnp.ones((E, dims[l + 1]), jnp.float32)
        params['bte%d' % l] = jnp.zeros((E, dims[l + 1]), jnp.float32)
    feat = EXPERT_LAYERS[-1]
    for t, od in enumerate(OUT_DIMS):
        params['Wt%d_0' % t] = jax.random.normal(ks[kidx], (feat, TASK_HIDDEN), dtype=jnp.float32) * 0.05
        kidx += 1
        params['bt%d_0' % t] = jnp.zeros((TASK_HIDDEN,), jnp.float32)
        params['Wt%d_1' % t] = jax.random.normal(ks[kidx], (TASK_HIDDEN, od), dtype=jnp.float32) * 0.05
        kidx += 1
        params['bt%d_1' % t] = jnp.zeros((od,), jnp.float32)
    return {"x": x, "params": params}


def _moe_forward(x, params, topi):
    gate_logits = x @ params['Wg'] + params['bg']
    topw = jnp.take_along_axis(gate_logits, topi, axis=1)
    gw = jax.nn.softmax(topw, axis=1)
    counts = jnp.zeros((B, E), jnp.float32).at[jnp.arange(B)[:, None], topi].set(1.0)
    frac = counts.mean(axis=0)
    probs = jax.nn.softmax(gate_logits, axis=1).mean(axis=0)
    lb_loss = ALPHA * jnp.sum(frac * probs)
    final = jnp.zeros((B, EXPERT_LAYERS[-1]), x.dtype)
    for i in range(E):
        w = jnp.sum(gw * (topi == i).astype(gw.dtype), axis=1)
        h = x
        for l in range(len(EXPERT_LAYERS)):
            h = h @ params['We%d' % l][i] + params['be%d' % l][i]
            h = _layernorm(h, params['ge%d' % l][i], params['bte%d' % l][i])
            h = jax.nn.relu(h)  # dropout is identity in eval mode
        h = h * w[:, None]
        final = final + h
    outs = []
    for t in range(len(OUT_DIMS)):
        ht = jax.nn.relu(final @ params['Wt%d_0' % t] + params['bt%d_0' % t])
        outs.append(ht @ params['Wt%d_1' % t] + params['bt%d_1' % t])
    return (outs[0], outs[1], final, lb_loss)


def reference(x, params):
    gate_logits = x @ params['Wg'] + params['bg']
    _, topi = jax.lax.top_k(gate_logits, K)
    return _moe_forward(x, params, topi)

if __name__ == "__main__":
    import jax
    _d = setup_inputs()
    print(jax.jit(kernel)(*tuple(_d.values())))

</pallas_src>

<mosaic_0001>
#map = affine_map<(d0, d1) -> (0, 0)>
#map1 = affine_map<(d0, d1) -> (0)>
module attributes {stable_mosaic.version = 14 : i64} {
  func.func @k(%arg0: i32, %arg1: i32, %arg2: memref<4096x1024xf32, #tpu.memory_space<hbm>>, %arg3: memref<4096xi32, #tpu.memory_space<hbm>>, %arg4: memref<4096xi32, #tpu.memory_space<hbm>>, %arg5: memref<12288x1024xf32, #tpu.memory_space<hbm>>, %arg6: memref<32xi32, #tpu.memory_space<vmem>>, %arg7: memref<32xi32, #tpu.memory_space<vmem>>, %arg8: memref<32x1024xf32, #tpu.memory_space<vmem>>, %arg9: memref<32xi32, #tpu.memory_space<vmem>>, %arg10: memref<32xi32, #tpu.memory_space<vmem>>, %arg11: memref<32x1024xf32, #tpu.memory_space<vmem>>, %arg12: memref<!tpu.dma_semaphore, #tpu.memory_space<semaphore_mem>>) attributes {dimension_semantics = [#tpu.dimension_semantics<core_parallel>, #tpu.dimension_semantics<subcore_parallel>], iteration_bounds = array<i64: 2, 16>, scalar_prefetch = 0 : i64, scratch_operands = 7 : i64, tpu.core_type = #tpu.core_type<sc_vector_subcore>, window_params = [{transform_indices = #map}, {transform_indices = #map1}, {transform_indices = #map1}, {transform_indices = #map}]} {
    %mul3A = arith.constant 2 : i32
    %mul3A_0 = arith.muli %arg1, %mul3A : i32
    %add3A = arith.addi %mul3A_0, %arg0 : i32
    %mul3A_1 = arith.constant 128 : i32
    %mul3A_2 = arith.muli %add3A, %mul3A_1 : i32
    "tpu.region"() ({
      %run_scoped3A = tpu.sem_alloc : memref<!tpu.dma_semaphore, #tpu.memory_space<semaphore_mem>>
      %dma_start3A_55 = arith.constant 0 : i32
      %dma_start3A_56 = tpu.memref_slice %arg2[%mul3A_2, %dma_start3A_55] : memref<4096x1024xf32, #tpu.memory_space<hbm>> -> memref<32x1024xf32, #tpu.memory_space<hbm>>
      %dma_start3A_57 = arith.constant 0 : i32
      %dma_start3A_58 = tpu.memref_slice %arg2[%mul3A_2, %dma_start3A_57] : memref<4096x1024xf32, #tpu.memory_space<hbm>> -> memref<32x1024xf32, #tpu.memory_space<hbm>>
      tpu.enqueue_dma source(%dma_start3A_58 : memref<32x1024xf32, #tpu.memory_space<hbm>>) target(%arg8 : memref<32x1024xf32, #tpu.memory_space<vmem>>) target_semaphore(%run_scoped3A : memref<!tpu.dma_semaphore, #tpu.memory_space<semaphore_mem>>)
      %dma_wait3A_59 = arith.constant 0 : i32
      %dma_wait3A_60 = tpu.memref_slice %arg2[%mul3A_2, %dma_wait3A_59] : memref<4096x1024xf32, #tpu.memory_space<hbm>> -> memref<32x1024xf32, #tpu.memory_space<hbm>>
      %dma_wait3A_61 = arith.constant 0 : i32
      %dma_wait3A_62 = tpu.memref_slice %arg2[%mul3A_2, %dma_wait3A_61] : memref<4096x1024xf32, #tpu.memory_space<hbm>> -> memref<32x1024xf32, #tpu.memory_space<hbm>>
      tpu.wait_dma2 semaphore(%run_scoped3A : memref<!tpu.dma_semaphore, #tpu.memory_space<semaphore_mem>>) src(%dma_wait3A_62 : memref<32x1024xf32, #tpu.memory_space<hbm>>) dst(%arg8 : memref<32x1024xf32, #tpu.memory_space<vmem>>)
      tpu.yield
    }) : () -> ()
    "tpu.region"() ({
      %run_scoped3A = tpu.sem_alloc : memref<!tpu.dma_semaphore, #tpu.memory_space<semaphore_mem>>
      %dma_start3A_55 = tpu.memref_slice %arg3[%mul3A_2] : memref<4096xi32, #tpu.memory_space<hbm>> -> memref<32xi32, #tpu.memory_space<hbm>>
      %dma_start3A_56 = tpu.memref_slice %arg3[%mul3A_2] : memref<4096xi32, #tpu.memory_space<hbm>> -> memref<32xi32, #tpu.memory_space<hbm>>
      tpu.enqueue_dma source(%dma_start3A_56 : memref<32xi32, #tpu.memory_space<hbm>>) target(%arg6 : memref<32xi32, #tpu.memory_space<vmem>>) target_semaphore(%run_scoped3A : memref<!tpu.dma_semaphore, #tpu.memory_space<semaphore_mem>>)
      %dma_wait3A_57 = tpu.memref_slice %arg3[%mul3A_2] : memref<4096xi32, #tpu.memory_space<hbm>> -> memref<32xi32, #tpu.memory_space<hbm>>
      %dma_wait3A_58 = tpu.memref_slice %arg3[%mul3A_2] : memref<4096xi32, #tpu.memory_space<hbm>> -> memref<32xi32, #tpu.memory_space<hbm>>
      tpu.wait_dma2 semaphore(%run_scoped3A : memref<!tpu.dma_semaphore, #tpu.memory_space<semaphore_mem>>) src(%dma_wait3A_58 : memref<32xi32, #tpu.memory_space<hbm>>) dst(%arg6 : memref<32xi32, #tpu.memory_space<vmem>>)
      tpu.yield
    }) : () -> ()
    "tpu.region"() ({
      %run_scoped3A = tpu.sem_alloc : memref<!tpu.dma_semaphore, #tpu.memory_space<semaphore_mem>>
      %dma_start3A_55 = tpu.memref_slice %arg4[%mul3A_2] : memref<4096xi32, #tpu.memory_space<hbm>> -> memref<32xi32, #tpu.memory_space<hbm>>
      %dma_start3A_56 = tpu.memref_slice %arg4[%mul3A_2] : memref<4096xi32, #tpu.memory_space<hbm>> -> memref<32xi32, #tpu.memory_space<hbm>>
      tpu.enqueue_dma source(%dma_start3A_56 : memref<32xi32, #tpu.memory_space<hbm>>) target(%arg7 : memref<32xi32, #tpu.memory_space<vmem>>) target_semaphore(%run_scoped3A : memref<!tpu.dma_semaphore, #tpu.memory_space<semaphore_mem>>)
      %dma_wait3A_57 = tpu.memref_slice %arg4[%mul3A_2] : memref<4096xi32, #tpu.memory_space<hbm>> -> memref<32xi32, #tpu.memory_space<hbm>>
      %dma_wait3A_58 = tpu.memref_slice %arg4[%mul3A_2] : memref<4096xi32, #tpu.memory_space<hbm>> -> memref<32xi32, #tpu.memory_space<hbm>>
      tpu.wait_dma2 semaphore(%run_scoped3A : memref<!tpu.dma_semaphore, #tpu.memory_space<semaphore_mem>>) src(%dma_wait3A_58 : memref<32xi32, #tpu.memory_space<hbm>>) dst(%arg7 : memref<32xi32, #tpu.memory_space<vmem>>)
      tpu.yield
    }) : () -> ()
    %dma_start3A = arith.constant 0 : i32
    %dma_start3A_3 = arith.constant 0 : i32
    %dma_start3A_4 = tpu.memref_slice %arg5[%dma_start3A, %dma_start3A_3] : memref<12288x1024xf32, #tpu.memory_space<hbm>> -> memref<12288x1024xf32, #tpu.memory_space<hbm>>
    tpu.enqueue_indirect_dma source(%arg8 : memref<32x1024xf32, #tpu.memory_space<vmem>>) target(%dma_start3A_4 : memref<12288x1024xf32, #tpu.memory_space<hbm>>) offsets(%arg6 : memref<32xi32, #tpu.memory_space<vmem>>) semaphore(%arg12 : memref<!tpu.dma_semaphore, #tpu.memory_space<semaphore_mem>>)
    %dma_start3A_5 = arith.constant 0 : i32
    %dma_start3A_6 = arith.constant 0 : i32
    %dma_start3A_7 = tpu.memref_slice %arg5[%dma_start3A_5, %dma_start3A_6] : memref<12288x1024xf32, #tpu.memory_space<hbm>> -> memref<12288x1024xf32, #tpu.memory_space<hbm>>
    tpu.enqueue_indirect_dma source(%arg8 : memref<32x1024xf32, #tpu.memory_space<vmem>>) target(%dma_start3A_7 : memref<12288x1024xf32, #tpu.memory_space<hbm>>) offsets(%arg7 : memref<32xi32, #tpu.memory_space<vmem>>) semaphore(%arg12 : memref<!tpu.dma_semaphore, #tpu.memory_space<semaphore_mem>>)
    %add3A_8 = arith.constant 32 : i32
    %add3A_9 = arith.addi %mul3A_2, %add3A_8 : i32
    "tpu.region"() ({
      %run_scoped3A = tpu.sem_alloc : memref<!tpu.dma_semaphore, #tpu.memory_space<semaphore_mem>>
      %dma_start3A_55 = arith.constant 0 : i32
      %dma_start3A_56 = tpu.memref_slice %arg2[%add3A_9, %dma_start3A_55] : memref<4096x1024xf32, #tpu.memory_space<hbm>> -> memref<32x1024xf32, #tpu.memory_space<hbm>>
      %dma_start3A_57 = arith.constant 0 : i32
      %dma_start3A_58 = tpu.memref_slice %arg2[%add3A_9, %dma_start3A_57] : memref<4096x1024xf32, #tpu.memory_space<hbm>> -> memref<32x1024xf32, #tpu.memory_space<hbm>>
      tpu.enqueue_dma source(%dma_start3A_58 : memref<32x1024xf32, #tpu.memory_space<hbm>>) target(%arg11 : memref<32x1024xf32, #tpu.memory_space<vmem>>) target_semaphore(%run_scoped3A : memref<!tpu.dma_semaphore, #tpu.memory_space<semaphore_mem>>)
      %dma_wait3A_59 = arith.constant 0 : i32
      %dma_wait3A_60 = tpu.memref_slice %arg2[%add3A_9, %dma_wait3A_59] : memref<4096x1024xf32, #tpu.memory_space<hbm>> -> memref<32x1024xf32, #tpu.memory_space<hbm>>
      %dma_wait3A_61 = arith.constant 0 : i32
      %dma_wait3A_62 = tpu.memref_slice %arg2[%add3A_9, %dma_wait3A_61] : memref<4096x1024xf32, #tpu.memory_space<hbm>> -> memref<32x1024xf32, #tpu.memory_space<hbm>>
      tpu.wait_dma2 semaphore(%run_scoped3A : memref<!tpu.dma_semaphore, #tpu.memory_space<semaphore_mem>>) src(%dma_wait3A_62 : memref<32x1024xf32, #tpu.memory_space<hbm>>) dst(%arg11 : memref<32x1024xf32, #tpu.memory_space<vmem>>)
      tpu.yield
    }) : () -> ()
    "tpu.region"() ({
      %run_scoped3A = tpu.sem_alloc : memref<!tpu.dma_semaphore, #tpu.memory_space<semaphore_mem>>
      %dma_start3A_55 = tpu.memref_slice %arg3[%add3A_9] : memref<4096xi32, #tpu.memory_space<hbm>> -> memref<32xi32, #tpu.memory_space<hbm>>
      %dma_start3A_56 = tpu.memref_slice %arg3[%add3A_9] : memref<4096xi32, #tpu.memory_space<hbm>> -> memref<32xi32, #tpu.memory_space<hbm>>
      tpu.enqueue_dma source(%dma_start3A_56 : memref<32xi32, #tpu.memory_space<hbm>>) target(%arg9 : memref<32xi32, #tpu.memory_space<vmem>>) target_semaphore(%run_scoped3A : memref<!tpu.dma_semaphore, #tpu.memory_space<semaphore_mem>>)
      %dma_wait3A_57 = tpu.memref_slice %arg3[%add3A_9] : memref<4096xi32, #tpu.memory_space<hbm>> -> memref<32xi32, #tpu.memory_space<hbm>>
      %dma_wait3A_58 = tpu.memref_slice %arg3[%add3A_9] : memref<4096xi32, #tpu.memory_space<hbm>> -> memref<32xi32, #tpu.memory_space<hbm>>
      tpu.wait_dma2 semaphore(%run_scoped3A : memref<!tpu.dma_semaphore, #tpu.memory_space<semaphore_mem>>) src(%dma_wait3A_58 : memref<32xi32, #tpu.memory_space<hbm>>) dst(%arg9 : memref<32xi32, #tpu.memory_space<vmem>>)
      tpu.yield
    }) : () -> ()
    "tpu.region"() ({
      %run_scoped3A = tpu.sem_alloc : memref<!tpu.dma_semaphore, #tpu.memory_space<semaphore_mem>>
      %dma_start3A_55 = tpu.memref_slice %arg4[%add3A_9] : memref<4096xi32, #tpu.memory_space<hbm>> -> memref<32xi32, #tpu.memory_space<hbm>>
      %dma_start3A_56 = tpu.memref_slice %arg4[%add3A_9] : memref<4096xi32, #tpu.memory_space<hbm>> -> memref<32xi32, #tpu.memory_space<hbm>>
      tpu.enqueue_dma source(%dma_start3A_56 : memref<32xi32, #tpu.memory_space<hbm>>) target(%arg10 : memref<32xi32, #tpu.memory_space<vmem>>) target_semaphore(%run_scoped3A : memref<!tpu.dma_semaphore, #tpu.memory_space<semaphore_mem>>)
      %dma_wait3A_57 = tpu.memref_slice %arg4[%add3A_9] : memref<4096xi32, #tpu.memory_space<hbm>> -> memref<32xi32, #tpu.memory_space<hbm>>
      %dma_wait3A_58 = tpu.memref_slice %arg4[%add3A_9] : memref<4096xi32, #tpu.memory_space<hbm>> -> memref<32xi32, #tpu.memory_space<hbm>>
      tpu.wait_dma2 semaphore(%run_scoped3A : memref<!tpu.dma_semaphore, #tpu.memory_space<semaphore_mem>>) src(%dma_wait3A_58 : memref<32xi32, #tpu.memory_space<hbm>>) dst(%arg10 : memref<32xi32, #tpu.memory_space<vmem>>)
      tpu.yield
    }) : () -> ()
    %dma_start3A_10 = arith.constant 0 : i32
    %dma_start3A_11 = arith.constant 0 : i32
    %dma_start3A_12 = tpu.memref_slice %arg5[%dma_start3A_10, %dma_start3A_11] : memref<12288x1024xf32, #tpu.memory_space<hbm>> -> memref<12288x1024xf32, #tpu.memory_space<hbm>>
    tpu.enqueue_indirect_dma source(%arg11 : memref<32x1024xf32, #tpu.memory_space<vmem>>) target(%dma_start3A_12 : memref<12288x1024xf32, #tpu.memory_space<hbm>>) offsets(%arg9 : memref<32xi32, #tpu.memory_space<vmem>>) semaphore(%arg12 : memref<!tpu.dma_semaphore, #tpu.memory_space<semaphore_mem>>)
    %dma_start3A_13 = arith.constant 0 : i32
    %dma_start3A_14 = arith.constant 0 : i32
    %dma_start3A_15 = tpu.memref_slice %arg5[%dma_start3A_13, %dma_start3A_14] : memref<12288x1024xf32, #tpu.memory_space<hbm>> -> memref<12288x1024xf32, #tpu.memory_space<hbm>>
    tpu.enqueue_indirect_dma source(%arg11 : memref<32x1024xf32, #tpu.memory_space<vmem>>) target(%dma_start3A_15 : memref<12288x1024xf32, #tpu.memory_space<hbm>>) offsets(%arg10 : memref<32xi32, #tpu.memory_space<vmem>>) semaphore(%arg12 : memref<!tpu.dma_semaphore, #tpu.memory_space<semaphore_mem>>)
    %add3A_16 = arith.constant 64 : i32
    %add3A_17 = arith.addi %mul3A_2, %add3A_16 : i32
    "tpu.region"() ({
      %run_scoped3A = tpu.sem_alloc : memref<!tpu.dma_semaphore, #tpu.memory_space<semaphore_mem>>
      %dma_start3A_55 = arith.constant 0 : i32
      %dma_start3A_56 = tpu.memref_slice %arg2[%add3A_17, %dma_start3A_55] : memref<4096x1024xf32, #tpu.memory_space<hbm>> -> memref<32x1024xf32, #tpu.memory_space<hbm>>
      %dma_start3A_57 = arith.constant 0 : i32
      %dma_start3A_58 = tpu.memref_slice %arg2[%add3A_17, %dma_start3A_57] : memref<4096x1024xf32, #tpu.memory_space<hbm>> -> memref<32x1024xf32, #tpu.memory_space<hbm>>
      tpu.enqueue_dma source(%dma_start3A_58 : memref<32x1024xf32, #tpu.memory_space<hbm>>) target(%arg8 : memref<32x1024xf32, #tpu.memory_space<vmem>>) target_semaphore(%run_scoped3A : memref<!tpu.dma_semaphore, #tpu.memory_space<semaphore_mem>>)
      %dma_wait3A_59 = arith.constant 0 : i32
      %dma_wait3A_60 = tpu.memref_slice %arg2[%add3A_17, %dma_wait3A_59] : memref<4096x1024xf32, #tpu.memory_space<hbm>> -> memref<32x1024xf32, #tpu.memory_space<hbm>>
      %dma_wait3A_61 = arith.constant 0 : i32
      %dma_wait3A_62 = tpu.memref_slice %arg2[%add3A_17, %dma_wait3A_61] : memref<4096x1024xf32, #tpu.memory_space<hbm>> -> memref<32x1024xf32, #tpu.memory_space<hbm>>
      tpu.wait_dma2 semaphore(%run_scoped3A : memref<!tpu.dma_semaphore, #tpu.memory_space<semaphore_mem>>) src(%dma_wait3A_62 : memref<32x1024xf32, #tpu.memory_space<hbm>>) dst(%arg8 : memref<32x1024xf32, #tpu.memory_space<vmem>>)
      tpu.yield
    }) : () -> ()
    "tpu.region"() ({
      %run_scoped3A = tpu.sem_alloc : memref<!tpu.dma_semaphore, #tpu.memory_space<semaphore_mem>>
      %dma_start3A_55 = tpu.memref_slice %arg3[%add3A_17] : memref<4096xi32, #tpu.memory_space<hbm>> -> memref<32xi32, #tpu.memory_space<hbm>>
      %dma_start3A_56 = tpu.memref_slice %arg3[%add3A_17] : memref<4096xi32, #tpu.memory_space<hbm>> -> memref<32xi32, #tpu.memory_space<hbm>>
      tpu.enqueue_dma source(%dma_start3A_56 : memref<32xi32, #tpu.memory_space<hbm>>) target(%arg6 : memref<32xi32, #tpu.memory_space<vmem>>) target_semaphore(%run_scoped3A : memref<!tpu.dma_semaphore, #tpu.memory_space<semaphore_mem>>)
      %dma_wait3A_57 = tpu.memref_slice %arg3[%add3A_17] : memref<4096xi32, #tpu.memory_space<hbm>> -> memref<32xi32, #tpu.memory_space<hbm>>
      %dma_wait3A_58 = tpu.memref_slice %arg3[%add3A_17] : memref<4096xi32, #tpu.memory_space<hbm>> -> memref<32xi32, #tpu.memory_space<hbm>>
      tpu.wait_dma2 semaphore(%run_scoped3A : memref<!tpu.dma_semaphore, #tpu.memory_space<semaphore_mem>>) src(%dma_wait3A_58 : memref<32xi32, #tpu.memory_space<hbm>>) dst(%arg6 : memref<32xi32, #tpu.memory_space<vmem>>)
      tpu.yield
    }) : () -> ()
    "tpu.region"() ({
      %run_scoped3A = tpu.sem_alloc : memref<!tpu.dma_semaphore, #tpu.memory_space<semaphore_mem>>
      %dma_start3A_55 = tpu.memref_slice %arg4[%add3A_17] : memref<4096xi32, #tpu.memory_space<hbm>> -> memref<32xi32, #tpu.memory_space<hbm>>
      %dma_start3A_56 = tpu.memref_slice %arg4[%add3A_17] : memref<4096xi32, #tpu.memory_space<hbm>> -> memref<32xi32, #tpu.memory_space<hbm>>
      tpu.enqueue_dma source(%dma_start3A_56 : memref<32xi32, #tpu.memory_space<hbm>>) target(%arg7 : memref<32xi32, #tpu.memory_space<vmem>>) target_semaphore(%run_scoped3A : memref<!tpu.dma_semaphore, #tpu.memory_space<semaphore_mem>>)
      %dma_wait3A_57 = tpu.memref_slice %arg4[%add3A_17] : memref<4096xi32, #tpu.memory_space<hbm>> -> memref<32xi32, #tpu.memory_space<hbm>>
      %dma_wait3A_58 = tpu.memref_slice %arg4[%add3A_17] : memref<4096xi32, #tpu.memory_space<hbm>> -> memref<32xi32, #tpu.memory_space<hbm>>
      tpu.wait_dma2 semaphore(%run_scoped3A : memref<!tpu.dma_semaphore, #tpu.memory_space<semaphore_mem>>) src(%dma_wait3A_58 : memref<32xi32, #tpu.memory_space<hbm>>) dst(%arg7 : memref<32xi32, #tpu.memory_space<vmem>>)
      tpu.yield
    }) : () -> ()
    %dma_start3A_18 = arith.constant 0 : i32
    %dma_start3A_19 = arith.constant 0 : i32
    %dma_start3A_20 = tpu.memref_slice %arg5[%dma_start3A_18, %dma_start3A_19] : memref<12288x1024xf32, #tpu.memory_space<hbm>> -> memref<12288x1024xf32, #tpu.memory_space<hbm>>
    tpu.enqueue_indirect_dma source(%arg8 : memref<32x1024xf32, #tpu.memory_space<vmem>>) target(%dma_start3A_20 : memref<12288x1024xf32, #tpu.memory_space<hbm>>) offsets(%arg6 : memref<32xi32, #tpu.memory_space<vmem>>) semaphore(%arg12 : memref<!tpu.dma_semaphore, #tpu.memory_space<semaphore_mem>>)
    %dma_start3A_21 = arith.constant 0 : i32
    %dma_start3A_22 = arith.constant 0 : i32
    %dma_start3A_23 = tpu.memref_slice %arg5[%dma_start3A_21, %dma_start3A_22] : memref<12288x1024xf32, #tpu.memory_space<hbm>> -> memref<12288x1024xf32, #tpu.memory_space<hbm>>
    tpu.enqueue_indirect_dma source(%arg8 : memref<32x1024xf32, #tpu.memory_space<vmem>>) target(%dma_start3A_23 : memref<12288x1024xf32, #tpu.memory_space<hbm>>) offsets(%arg7 : memref<32xi32, #tpu.memory_space<vmem>>) semaphore(%arg12 : memref<!tpu.dma_semaphore, #tpu.memory_space<semaphore_mem>>)
    %add3A_24 = arith.constant 96 : i32
    %add3A_25 = arith.addi %mul3A_2, %add3A_24 : i32
    "tpu.region"() ({
      %run_scoped3A = tpu.sem_alloc : memref<!tpu.dma_semaphore, #tpu.memory_space<semaphore_mem>>
      %dma_start3A_55 = arith.constant 0 : i32
      %dma_start3A_56 = tpu.memref_slice %arg2[%add3A_25, %dma_start3A_55] : memref<4096x1024xf32, #tpu.memory_space<hbm>> -> memref<32x1024xf32, #tpu.memory_space<hbm>>
      %dma_start3A_57 = arith.constant 0 : i32
      %dma_start3A_58 = tpu.memref_slice %arg2[%add3A_25, %dma_start3A_57] : memref<4096x1024xf32, #tpu.memory_space<hbm>> -> memref<32x1024xf32, #tpu.memory_space<hbm>>
      tpu.enqueue_dma source(%dma_start3A_58 : memref<32x1024xf32, #tpu.memory_space<hbm>>) target(%arg11 : memref<32x1024xf32, #tpu.memory_space<vmem>>) target_semaphore(%run_scoped3A : memref<!tpu.dma_semaphore, #tpu.memory_space<semaphore_mem>>)
      %dma_wait3A_59 = arith.constant 0 : i32
      %dma_wait3A_60 = tpu.memref_slice %arg2[%add3A_25, %dma_wait3A_59] : memref<4096x1024xf32, #tpu.memory_space<hbm>> -> memref<32x1024xf32, #tpu.memory_space<hbm>>
      %dma_wait3A_61 = arith.constant 0 : i32
      %dma_wait3A_62 = tpu.memref_slice %arg2[%add3A_25, %dma_wait3A_61] : memref<4096x1024xf32, #tpu.memory_space<hbm>> -> memref<32x1024xf32, #tpu.memory_space<hbm>>
      tpu.wait_dma2 semaphore(%run_scoped3A : memref<!tpu.dma_semaphore, #tpu.memory_space<semaphore_mem>>) src(%dma_wait3A_62 : memref<32x1024xf32, #tpu.memory_space<hbm>>) dst(%arg11 : memref<32x1024xf32, #tpu.memory_space<vmem>>)
      tpu.yield
    }) : () -> ()
    "tpu.region"() ({
      %run_scoped3A = tpu.sem_alloc : memref<!tpu.dma_semaphore, #tpu.memory_space<semaphore_mem>>
      %dma_start3A_55 = tpu.memref_slice %arg3[%add3A_25] : memref<4096xi32, #tpu.memory_space<hbm>> -> memref<32xi32, #tpu.memory_space<hbm>>
      %dma_start3A_56 = tpu.memref_slice %arg3[%add3A_25] : memref<4096xi32, #tpu.memory_space<hbm>> -> memref<32xi32, #tpu.memory_space<hbm>>
      tpu.enqueue_dma source(%dma_start3A_56 : memref<32xi32, #tpu.memory_space<hbm>>) target(%arg9 : memref<32xi32, #tpu.memory_space<vmem>>) target_semaphore(%run_scoped3A : memref<!tpu.dma_semaphore, #tpu.memory_space<semaphore_mem>>)
      %dma_wait3A_57 = tpu.memref_slice %arg3[%add3A_25] : memref<4096xi32, #tpu.memory_space<hbm>> -> memref<32xi32, #tpu.memory_space<hbm>>
      %dma_wait3A_58 = tpu.memref_slice %arg3[%add3A_25] : memref<4096xi32, #tpu.memory_space<hbm>> -> memref<32xi32, #tpu.memory_space<hbm>>
      tpu.wait_dma2 semaphore(%run_scoped3A : memref<!tpu.dma_semaphore, #tpu.memory_space<semaphore_mem>>) src(%dma_wait3A_58 : memref<32xi32, #tpu.memory_space<hbm>>) dst(%arg9 : memref<32xi32, #tpu.memory_space<vmem>>)
      tpu.yield
    }) : () -> ()
    "tpu.region"() ({
      %run_scoped3A = tpu.sem_alloc : memref<!tpu.dma_semaphore, #tpu.memory_space<semaphore_mem>>
      %dma_start3A_55 = tpu.memref_slice %arg4[%add3A_25] : memref<4096xi32, #tpu.memory_space<hbm>> -> memref<32xi32, #tpu.memory_space<hbm>>
      %dma_start3A_56 = tpu.memref_slice %arg4[%add3A_25] : memref<4096xi32, #tpu.memory_space<hbm>> -> memref<32xi32, #tpu.memory_space<hbm>>
      tpu.enqueue_dma source(%dma_start3A_56 : memref<32xi32, #tpu.memory_space<hbm>>) target(%arg10 : memref<32xi32, #tpu.memory_space<vmem>>) target_semaphore(%run_scoped3A : memref<!tpu.dma_semaphore, #tpu.memory_space<semaphore_mem>>)
      %dma_wait3A_57 = tpu.memref_slice %arg4[%add3A_25] : memref<4096xi32, #tpu.memory_space<hbm>> -> memref<32xi32, #tpu.memory_space<hbm>>
      %dma_wait3A_58 = tpu.memref_slice %arg4[%add3A_25] : memref<4096xi32, #tpu.memory_space<hbm>> -> memref<32xi32, #tpu.memory_space<hbm>>
      tpu.wait_dma2 semaphore(%run_scoped3A : memref<!tpu.dma_semaphore, #tpu.memory_space<semaphore_mem>>) src(%dma_wait3A_58 : memref<32xi32, #tpu.memory_space<hbm>>) dst(%arg10 : memref<32xi32, #tpu.memory_space<vmem>>)
      tpu.yield
    }) : () -> ()
    %dma_start3A_26 = arith.constant 0 : i32
    %dma_start3A_27 = arith.constant 0 : i32
    %dma_start3A_28 = tpu.memref_slice %arg5[%dma_start3A_26, %dma_start3A_27] : memref<12288x1024xf32, #tpu.memory_space<hbm>> -> memref<12288x1024xf32, #tpu.memory_space<hbm>>
    tpu.enqueue_indirect_dma source(%arg11 : memref<32x1024xf32, #tpu.memory_space<vmem>>) target(%dma_start3A_28 : memref<12288x1024xf32, #tpu.memory_space<hbm>>) offsets(%arg9 : memref<32xi32, #tpu.memory_space<vmem>>) semaphore(%arg12 : memref<!tpu.dma_semaphore, #tpu.memory_space<semaphore_mem>>)
    %dma_start3A_29 = arith.constant 0 : i32
    %dma_start3A_30 = arith.constant 0 : i32
    %dma_start3A_31 = tpu.memref_slice %arg5[%dma_start3A_29, %dma_start3A_30] : memref<12288x1024xf32, #tpu.memory_space<hbm>> -> memref<12288x1024xf32, #tpu.memory_space<hbm>>
    tpu.enqueue_indirect_dma source(%arg11 : memref<32x1024xf32, #tpu.memory_space<vmem>>) target(%dma_start3A_31 : memref<12288x1024xf32, #tpu.memory_space<hbm>>) offsets(%arg10 : memref<32xi32, #tpu.memory_space<vmem>>) semaphore(%arg12 : memref<!tpu.dma_semaphore, #tpu.memory_space<semaphore_mem>>)
    %dma_wait3A = arith.constant 0 : i32
    %dma_wait3A_32 = arith.constant 0 : i32
    %dma_wait3A_33 = tpu.memref_slice %arg5[%dma_wait3A, %dma_wait3A_32] : memref<12288x1024xf32, #tpu.memory_space<hbm>> -> memref<12288x1024xf32, #tpu.memory_space<hbm>>
    tpu.wait_indirect_dma semaphore(%arg12 : memref<!tpu.dma_semaphore, #tpu.memory_space<semaphore_mem>>) src(%arg8 : memref<32x1024xf32, #tpu.memory_space<vmem>>) dst(%dma_wait3A_33 : memref<12288x1024xf32, #tpu.memory_space<hbm>>)
    %dma_wait3A_34 = arith.constant 0 : i32
    %dma_wait3A_35 = arith.constant 0 : i32
    %dma_wait3A_36 = tpu.memref_slice %arg5[%dma_wait3A_34, %dma_wait3A_35] : memref<12288x1024xf32, #tpu.memory_space<hbm>> -> memref<12288x1024xf32, #tpu.memory_space<hbm>>
    tpu.wait_indirect_dma semaphore(%arg12 : memref<!tpu.dma_semaphore, #tpu.memory_space<semaphore_mem>>) src(%arg8 : memref<32x1024xf32, #tpu.memory_space<vmem>>) dst(%dma_wait3A_36 : memref<12288x1024xf32, #tpu.memory_space<hbm>>)
    %dma_wait3A_37 = arith.constant 0 : i32
    %dma_wait3A_38 = arith.constant 0 : i32
    %dma_wait3A_39 = tpu.memref_slice %arg5[%dma_wait3A_37, %dma_wait3A_38] : memref<12288x1024xf32, #tpu.memory_space<hbm>> -> memref<12288x1024xf32, #tpu.memory_space<hbm>>
    tpu.wait_indirect_dma semaphore(%arg12 : memref<!tpu.dma_semaphore, #tpu.memory_space<semaphore_mem>>) src(%arg11 : memref<32x1024xf32, #tpu.memory_space<vmem>>) dst(%dma_wait3A_39 : memref<12288x1024xf32, #tpu.memory_space<hbm>>)
    %dma_wait3A_40 = arith.constant 0 : i32
    %dma_wait3A_41 = arith.constant 0 : i32
    %dma_wait3A_42 = tpu.memref_slice %arg5[%dma_wait3A_40, %dma_wait3A_41] : memref<12288x1024xf32, #tpu.memory_space<hbm>> -> memref<12288x1024xf32, #tpu.memory_space<hbm>>
    tpu.wait_indirect_dma semaphore(%arg12 : memref<!tpu.dma_semaphore, #tpu.memory_space<semaphore_mem>>) src(%arg11 : memref<32x1024xf32, #tpu.memory_space<vmem>>) dst(%dma_wait3A_42 : memref<12288x1024xf32, #tpu.memory_space<hbm>>)
    %dma_wait3A_43 = arith.constant 0 : i32
    %dma_wait3A_44 = arith.constant 0 : i32
    %dma_wait3A_45 = tpu.memref_slice %arg5[%dma_wait3A_43, %dma_wait3A_44] : memref<12288x1024xf32, #tpu.memory_space<hbm>> -> memref<12288x1024xf32, #tpu.memory_space<hbm>>
    tpu.wait_indirect_dma semaphore(%arg12 : memref<!tpu.dma_semaphore, #tpu.memory_space<semaphore_mem>>) src(%arg8 : memref<32x1024xf32, #tpu.memory_space<vmem>>) dst(%dma_wait3A_45 : memref<12288x1024xf32, #tpu.memory_space<hbm>>)
    %dma_wait3A_46 = arith.constant 0 : i32
    %dma_wait3A_47 = arith.constant 0 : i32
    %dma_wait3A_48 = tpu.memref_slice %arg5[%dma_wait3A_46, %dma_wait3A_47] : memref<12288x1024xf32, #tpu.memory_space<hbm>> -> memref<12288x1024xf32, #tpu.memory_space<hbm>>
    tpu.wait_indirect_dma semaphore(%arg12 : memref<!tpu.dma_semaphore, #tpu.memory_space<semaphore_mem>>) src(%arg8 : memref<32x1024xf32, #tpu.memory_space<vmem>>) dst(%dma_wait3A_48 : memref<12288x1024xf32, #tpu.memory_space<hbm>>)
    %dma_wait3A_49 = arith.constant 0 : i32
    %dma_wait3A_50 = arith.constant 0 : i32
    %dma_wait3A_51 = tpu.memref_slice %arg5[%dma_wait3A_49, %dma_wait3A_50] : memref<12288x1024xf32, #tpu.memory_space<hbm>> -> memref<12288x1024xf32, #tpu.memory_space<hbm>>
    tpu.wait_indirect_dma semaphore(%arg12 : memref<!tpu.dma_semaphore, #tpu.memory_space<semaphore_mem>>) src(%arg11 : memref<32x1024xf32, #tpu.memory_space<vmem>>) dst(%dma_wait3A_51 : memref<12288x1024xf32, #tpu.memory_space<hbm>>)
    %dma_wait3A_52 = arith.constant 0 : i32
    %dma_wait3A_53 = arith.constant 0 : i32
    %dma_wait3A_54 = tpu.memref_slice %arg5[%dma_wait3A_52, %dma_wait3A_53] : memref<12288x1024xf32, #tpu.memory_space<hbm>> -> memref<12288x1024xf32, #tpu.memory_space<hbm>>
    tpu.wait_indirect_dma semaphore(%arg12 : memref<!tpu.dma_semaphore, #tpu.memory_space<semaphore_mem>>) src(%arg11 : memref<32x1024xf32, #tpu.memory_space<vmem>>) dst(%dma_wait3A_54 : memref<12288x1024xf32, #tpu.memory_space<hbm>>)
    return
  }
}

module attributes {stable_mosaic.version = 14 : i64} {
  func.func @_gate_body(%arg0: i32, %arg1: memref<512x1024xf32, #tpu.memory_space<vmem>>, %arg2: memref<1024x16xf32, #tpu.memory_space<vmem>>, %arg3: memref<1x16xf32, #tpu.memory_space<vmem>>, %arg4: memref<512x8xf32, #tpu.memory_space<vmem>>, %arg5: memref<2x16xf32, #tpu.memory_space<vmem>>) attributes {dimension_semantics = [#tpu.dimension_semantics<arbitrary>], iteration_bounds = array<i64: 8>, scalar_prefetch = 0 : i64, scratch_operands = 0 : i64, tpu.core_type = #tpu.core_type<tc>, window_params = [{transform_indices = @transform_0, window_bounds = array<i64: 512, 1024>}, {pipeline_mode = #tpu.pipeline_mode<synchronous>, transform_indices = @transform_1, window_bounds = array<i64: 1024, 16>}, {pipeline_mode = #tpu.pipeline_mode<synchronous>, transform_indices = @transform_2, window_bounds = array<i64: 1, 16>}, {transform_indices = @transform_3, window_bounds = array<i64: 512, 8>}, {pipeline_mode = #tpu.pipeline_mode<synchronous>, transform_indices = @transform_4, window_bounds = array<i64: 2, 16>}]} {
    %get3A = arith.constant 0 : index
    %get3A_0 = arith.constant 0 : index
    %get3A_1 = vector.load %arg1[%get3A, %get3A_0] : memref<512x1024xf32, #tpu.memory_space<vmem>>, vector<512x1024xf32>
    %get3A_2 = arith.constant 0 : index
    %get3A_3 = arith.constant 0 : index
    %get3A_4 = vector.load %arg2[%get3A_2, %get3A_3] : memref<1024x16xf32, #tpu.memory_space<vmem>>, vector<1024x16xf32>
    %dot_general3A = arith.constant dense<0.000000e+00> : vector<512x16xf32>
    %dot_general3A_5 = tpu.matmul %get3A_1, %get3A_4, %dot_general3A {dimension_numbers = #tpu.dot_dimension_numbers<[1], [0], [0], [1], [0, 0, 1, 1], [], []>, transpose_lhs_hint = false} : vector<512x1024xf32>, vector<1024x16xf32>, vector<512x16xf32> -> vector<512x16xf32>
    %get3A_6 = arith.constant 0 : index
    %get3A_7 = arith.constant 0 : index
    %get3A_8 = vector.load %arg3[%get3A_6, %get3A_7] : memref<1x16xf32, #tpu.memory_space<vmem>>, vector<1x16xf32>
    %add3A = vector.broadcast %get3A_8 : vector<1x16xf32> to vector<512x16xf32>
    %add3A_9 = arith.addf %dot_general3A_5, %add3A : vector<512x16xf32>
    %iota3A = tpu.iota {dimensions = array<i32: 1>} : vector<512x16xi32>
    %reduce_max3A = arith.constant dense<0xFF800000> : vector<512xf32>
    %reduce_max3A_10 = vector.multi_reduction <maximumf>, %add3A_9, %reduce_max3A [1] : vector<512x16xf32> to vector<512xf32>
    %broadcast_in_dim3A = vector.shape_cast %reduce_max3A_10 : vector<512xf32> to vector<512x1xf32>
    %eq3A = vector.broadcast %broadcast_in_dim3A : vector<512x1xf32> to vector<512x16xf32>
    %eq3A_11 = arith.cmpf oeq, %add3A_9, %eq3A : vector<512x16xf32>
    %jit3A = arith.constant 16 : i32
    %broadcast_in_dim3A_12 = vector.broadcast %jit3A : i32 to vector<512x16xi32>
    %select_n3A = arith.select %eq3A_11, %iota3A, %broadcast_in_dim3A_12 : vector<512x16xi1>, vector<512x16xi32>
    %reduce_min3A = arith.constant dense<2147483647> : vector<512xi32>
    %reduce_min3A_13 = vector.multi_reduction <minsi>, %select_n3A, %reduce_min3A [1] : vector<512x16xi32> to vector<512xi32>
    %broadcast_in_dim3A_14 = vector.shape_cast %reduce_min3A_13 : vector<512xi32> to vector<512x1xi32>
    %eq3A_15 = vector.broadcast %broadcast_in_dim3A_14 : vector<512x1xi32> to vector<512x16xi32>
    %eq3A_16 = arith.cmpi eq, %iota3A, %eq3A_15 : vector<512x16xi32>
    %jit3A_17 = arith.constant 0xFF800000 : f32
    %broadcast_in_dim3A_18 = vector.broadcast %jit3A_17 : f32 to vector<512x16xf32>
    %select_n3A_19 = arith.select %eq3A_16, %broadcast_in_dim3A_18, %add3A_9 : vector<512x16xi1>, vector<512x16xf32>
    %reduce_max3A_20 = arith.constant dense<0xFF800000> : vector<512xf32>
    %reduce_max3A_21 = vector.multi_reduction <maximumf>, %select_n3A_19, %reduce_max3A_20 [1] : vector<512x16xf32> to vector<512xf32>
    %broadcast_in_dim3A_22 = vector.shape_cast %reduce_max3A_21 : vector<512xf32> to vector<512x1xf32>
    %eq3A_23 = vector.broadcast %broadcast_in_dim3A_22 : vector<512x1xf32> to vector<512x16xf32>
    %eq3A_24 = arith.cmpf oeq, %select_n3A_19, %eq3A_23 : vector<512x16xf32>
    %jit3A_25 = arith.constant 16 : i32
    %broadcast_in_dim3A_26 = vector.broadcast %jit3A_25 : i32 to vector<512x16xi32>
    %select_n3A_27 = arith.select %eq3A_24, %iota3A, %broadcast_in_dim3A_26 : vector<512x16xi1>, vector<512x16xi32>
    %reduce_min3A_28 = arith.constant dense<2147483647> : vector<512xi32>
    %reduce_min3A_29 = vector.multi_reduction <minsi>, %select_n3A_27, %reduce_min3A_28 [1] : vector<512x16xi32> to vector<512xi32>
    %broadcast_in_dim3A_30 = vector.shape_cast %reduce_min3A_29 : vector<512xi32> to vector<512x1xi32>
    %sub3A = arith.subf %broadcast_in_dim3A_22, %broadcast_in_dim3A : vector<512x1xf32>
    %exp3A = math.exp %sub3A : vector<512x1xf32>
    %add3A_31 = arith.constant 1.000000e+00 : f32
    %add3A_32 = vector.broadcast %add3A_31 : f32 to vector<512x1xf32>
    %add3A_33 = arith.addf %add3A_32, %exp3A : vector<512x1xf32>
    %div3A = arith.constant 1.000000e+00 : f32
    %div3A_34 = vector.broadcast %div3A : f32 to vector<512x1xf32>
    %div3A_35 = arith.divf %div3A_34, %add3A_33 : vector<512x1xf32>
    %mul3A = arith.mulf %exp3A, %div3A_35 : vector<512x1xf32>
    %sub3A_36 = vector.broadcast %broadcast_in_dim3A : vector<512x1xf32> to vector<512x16xf32>
    %sub3A_37 = arith.subf %add3A_9, %sub3A_36 : vector<512x16xf32>
    %exp3A_38 = math.exp %sub3A_37 : vector<512x16xf32>
    %reduce_sum3A = arith.constant dense<0.000000e+00> : vector<512xf32>
    %reduce_sum3A_39 = vector.multi_reduction <add>, %exp3A_38, %reduce_sum3A [1] : vector<512x16xf32> to vector<512xf32>
    %broadcast_in_dim3A_40 = vector.shape_cast %reduce_sum3A_39 : vector<512xf32> to vector<512x1xf32>
    %div3A_41 = vector.broadcast %broadcast_in_dim3A_40 : vector<512x1xf32> to vector<512x16xf32>
    %div3A_42 = arith.divf %exp3A_38, %div3A_41 : vector<512x16xf32>
    %eq3A_43 = vector.broadcast %broadcast_in_dim3A_14 : vector<512x1xi32> to vector<512x16xi32>
    %eq3A_44 = arith.cmpi eq, %iota3A, %eq3A_43 : vector<512x16xi32>
    %eq3A_45 = vector.broadcast %broadcast_in_dim3A_30 : vector<512x1xi32> to vector<512x16xi32>
    %eq3A_46 = arith.cmpi eq, %iota3A, %eq3A_45 : vector<512x16xi32>
    %or3A = arith.ori %eq3A_44, %eq3A_46 : vector<512x16xi1>
    %convert_element_type3A = arith.extui %or3A : vector<512x16xi1> to vector<512x16xi32>
    %convert_element_type3A_47 = arith.sitofp %convert_element_type3A : vector<512x16xi32> to vector<512x16xf32>
    %reduce_sum3A_48 = arith.constant dense<0.000000e+00> : vector<16xf32>
    %reduce_sum3A_49 = vector.multi_reduction <add>, %convert_element_type3A_47, %reduce_sum3A_48 [0] : vector<512x16xf32> to vector<16xf32>
    %broadcast_in_dim3A_50 = vector.shape_cast %reduce_sum3A_49 : vector<16xf32> to vector<1x16xf32>
    %reduce_sum3A_51 = arith.constant dense<0.000000e+00> : vector<16xf32>
    %reduce_sum3A_52 = vector.multi_reduction <add>, %div3A_42, %reduce_sum3A_51 [0] : vector<512x16xf32> to vector<16xf32>
    %broadcast_in_dim3A_53 = vector.shape_cast %reduce_sum3A_52 : vector<16xf32> to vector<1x16xf32>
    %concatenate3A = tpu.concatenate %broadcast_in_dim3A_50, %broadcast_in_dim3A_53 in 0 : vector<1x16xf32>, vector<1x16xf32> -> vector<2x16xf32>
    %eq3A_54 = arith.constant 0 : i32
    %eq3A_55 = arith.cmpi eq, %arg0, %eq3A_54 : i32
    %convert_element_type3A_56 = arith.extui %eq3A_55 : i1 to i32
    %cond3A = arith.constant 0 : i32
    %cond3A_57 = arith.cmpi ne, %convert_element_type3A_56, %cond3A : i32
    scf.if %cond3A_57 {
      %broadcast_in_dim3A_72 = arith.constant 0.000000e+00 : f32
      %broadcast_in_dim3A_73 = vector.broadcast %broadcast_in_dim3A_72 : f32 to vector<2x16xf32>
      %swap3A_74 = arith.constant 0 : index
      %swap3A_75 = arith.constant 0 : index
      %swap3A_76 = vector.load %arg5[%swap3A_74, %swap3A_75] : memref<2x16xf32, #tpu.memory_space<vmem>>, vector<2x16xf32>
      tpu.vector_store %arg5[%swap3A_74, %swap3A_75], %broadcast_in_dim3A_73 {strides = array<i32>} : memref<2x16xf32, #tpu.memory_space<vmem>>, vector<2x16xf32>,
    } else {
    }
    %get3A_58 = arith.constant 0 : index
    %get3A_59 = arith.constant 0 : index
    %get3A_60 = vector.load %arg5[%get3A_58, %get3A_59] : memref<2x16xf32, #tpu.memory_space<vmem>>, vector<2x16xf32>
    %add3A_61 = arith.addf %get3A_60, %concatenate3A : vector<2x16xf32>
    %swap3A = arith.constant 0 : index
    %swap3A_62 = arith.constant 0 : index
    %swap3A_63 = vector.load %arg5[%swap3A, %swap3A_62] : memref<2x16xf32, #tpu.memory_space<vmem>>, vector<2x16xf32>
    tpu.vector_store %arg5[%swap3A, %swap3A_62], %add3A_61 {strides = array<i32>} : memref<2x16xf32, #tpu.memory_space<vmem>>, vector<2x16xf32>,
    %convert_element_type3A_64 = arith.sitofp %broadcast_in_dim3A_14 : vector<512x1xi32> to vector<512x1xf32>
    %convert_element_type3A_65 = arith.sitofp %broadcast_in_dim3A_30 : vector<512x1xi32> to vector<512x1xf32>
    %broadcast_in_dim3A_66 = arith.constant 0.000000e+00 : f32
    %broadcast_in_dim3A_67 = vector.broadcast %broadcast_in_dim3A_66 : f32 to vector<512x4xf32>
    %concatenate3A_68 = tpu.concatenate %convert_element_type3A_64, %convert_element_type3A_65, %div3A_35, %mul3A, %broadcast_in_dim3A_67 in 1 : vector<512x1xf32>, vector<512x1xf32>, vector<512x1xf32>, vector<512x1xf32>, vector<512x4xf32> -> vector<512x8xf32>
    %swap3A_69 = arith.constant 0 : index
    %swap3A_70 = arith.constant 0 : index
    %swap3A_71 = vector.load %arg4[%swap3A_69, %swap3A_70] : memref<512x8xf32, #tpu.memory_space<vmem>>, vector<512x8xf32>
    tpu.vector_store %arg4[%swap3A_69, %swap3A_70], %concatenate3A_68 {strides = array<i32>} : memref<512x8xf32, #tpu.memory_space<vmem>>, vector<512x8xf32>,
    return
  }
  func.func @transform_0(%arg0: i32) -> (i32, i32) {
    %c0_i32 = arith.constant 0 : i32
    %c0_i32_0 = arith.constant 0 : i32
    return %arg0, %c0_i32 : i32, i32
  }
  func.func @transform_1(%arg0: i32) -> (i32, i32) {
    %c0_i32 = arith.constant 0 : i32
    %c0_i32_0 = arith.constant 0 : i32
    %c0_i32_1 = arith.constant 0 : i32
    return %c0_i32, %c0_i32_0 : i32, i32
  }
  func.func @transform_2(%arg0: i32) -> (i32, i32) {
    %c0_i32 = arith.constant 0 : i32
    %c0_i32_0 = arith.constant 0 : i32
    %c0_i32_1 = arith.constant 0 : i32
    return %c0_i32, %c0_i32_0 : i32, i32
  }
  func.func @transform_3(%arg0: i32) -> (i32, i32) {
    %c0_i32 = arith.constant 0 : i32
    %c0_i32_0 = arith.constant 0 : i32
    return %arg0, %c0_i32 : i32, i32
  }
  func.func @transform_4(%arg0: i32) -> (i32, i32) {
    %c0_i32 = arith.constant 0 : i32
    %c0_i32_0 = arith.constant 0 : i32
    %c0_i32_1 = arith.constant 0 : i32
    return %c0_i32, %c0_i32_0 : i32, i32
  }
}

module attributes {stable_mosaic.version = 14 : i64} {
  func.func @_mlp_body(%arg0: i32, %arg1: memref<48xi32, #tpu.memory_space<smem>>, %arg2: memref<256x1024xf32, #tpu.memory_space<vmem>>, %arg3: memref<1x1024x512xf32, #tpu.memory_space<vmem>>, %arg4: memref<1x1x512xf32, #tpu.memory_space<vmem>>, %arg5: memref<1x1x512xf32, #tpu.memory_space<vmem>>, %arg6: memref<1x1x512xf32, #tpu.memory_space<vmem>>, %arg7: memref<1x512x256xf32, #tpu.memory_space<vmem>>, %arg8: memref<1x1x256xf32, #tpu.memory_space<vmem>>, %arg9: memref<1x1x256xf32, #tpu.memory_space<vmem>>, %arg10: memref<1x1x256xf32, #tpu.memory_space<vmem>>, %arg11: memref<1x256x128xf32, #tpu.memory_space<vmem>>, %arg12: memref<1x1x128xf32, #tpu.memory_space<vmem>>, %arg13: memref<1x1x128xf32, #tpu.memory_space<vmem>>, %arg14: memref<1x1x128xf32, #tpu.memory_space<vmem>>, %arg15: memref<256x128xf32, #tpu.memory_space<vmem>>) attributes {dimension_semantics = [#tpu.dimension_semantics<arbitrary>], iteration_bounds = array<i64: 48>, scalar_prefetch = 1 : i64, scratch_operands = 0 : i64, tpu.core_type = #tpu.core_type<tc>, window_params = [{transform_indices = @transform_0, window_bounds = array<i64: 256, 1024>}, {transform_indices = @transform_1, window_bounds = array<i64: 1, 1024, 512>}, {transform_indices = @transform_2, window_bounds = array<i64: 1, 1, 512>}, {transform_indices = @transform_3, window_bounds = array<i64: 1, 1, 512>}, {transform_indices = @transform_4, window_bounds = array<i64: 1, 1, 512>}, {transform_indices = @transform_5, window_bounds = array<i64: 1, 512, 256>}, {transform_indices = @transform_6, window_bounds = array<i64: 1, 1, 256>}, {transform_indices = @transform_7, window_bounds = array<i64: 1, 1, 256>}, {transform_indices = @transform_8, window_bounds = array<i64: 1, 1, 256>}, {transform_indices = @transform_9, window_bounds = array<i64: 1, 256, 128>}, {transform_indices = @transform_10, window_bounds = array<i64: 1, 1, 128>}, {transform_indices = @transform_11, window_bounds = array<i64: 1, 1, 128>}, {transform_indices = @transform_12, window_bounds = array<i64: 1, 1, 128>}, {transform_indices = @transform_13, window_bounds = array<i64: 256, 128>}]} {
    %get3A = arith.constant 0 : index
    %get3A_0 = arith.constant 0 : index
    %get3A_1 = vector.load %arg2[%get3A, %get3A_0] : memref<256x1024xf32, #tpu.memory_space<vmem>>, vector<256x1024xf32>
    %get3A_2 = arith.constant 0 : index
    %get3A_3 = arith.constant 0 : index
    %get3A_4 = arith.constant 0 : index
    %get3A_5 = vector.load %arg3[%get3A_2, %get3A_3, %get3A_4] : memref<1x1024x512xf32, #tpu.memory_space<vmem>>, vector<1x1024x512xf32>
    %get3A_6 = vector.shape_cast %get3A_5 : vector<1x1024x512xf32> to vector<1024x512xf32>
    %dot_general3A = arith.constant dense<0.000000e+00> : vector<256x512xf32>
    %dot_general3A_7 = tpu.matmul %get3A_1, %get3A_6, %dot_general3A {dimension_numbers = #tpu.dot_dimension_numbers<[1], [0], [0], [1], [0, 0, 1, 1], [], []>, transpose_lhs_hint = false} : vector<256x1024xf32>, vector<1024x512xf32>, vector<256x512xf32> -> vector<256x512xf32>
    %get3A_8 = arith.constant 0 : index
    %get3A_9 = arith.constant 0 : index
    %get3A_10 = arith.constant 0 : index
    %get3A_11 = vector.load %arg4[%get3A_8, %get3A_9, %get3A_10] : memref<1x1x512xf32, #tpu.memory_space<vmem>>, vector<1x1x512xf32>
    %get3A_12 = vector.shape_cast %get3A_11 : vector<1x1x512xf32> to vector<1x512xf32>
    %add3A = vector.broadcast %get3A_12 : vector<1x512xf32> to vector<256x512xf32>
    %add3A_13 = arith.addf %dot_general3A_7, %add3A : vector<256x512xf32>
    %reduce_sum3A = arith.constant dense<0.000000e+00> : vector<256xf32>
    %reduce_sum3A_14 = vector.multi_reduction <add>, %add3A_13, %reduce_sum3A [1] : vector<256x512xf32> to vector<256xf32>
    %broadcast_in_dim3A = vector.shape_cast %reduce_sum3A_14 : vector<256xf32> to vector<256x1xf32>
    %mul3A = arith.constant 0.001953125 : f32
    %mul3A_15 = vector.broadcast %mul3A : f32 to vector<256x1xf32>
    %mul3A_16 = arith.mulf %broadcast_in_dim3A, %mul3A_15 : vector<256x1xf32>
    %mul3A_17 = arith.mulf %add3A_13, %add3A_13 : vector<256x512xf32>
    %reduce_sum3A_18 = arith.constant dense<0.000000e+00> : vector<256xf32>
    %reduce_sum3A_19 = vector.multi_reduction <add>, %mul3A_17, %reduce_sum3A_18 [1] : vector<256x512xf32> to vector<256xf32>
    %broadcast_in_dim3A_20 = vector.shape_cast %reduce_sum3A_19 : vector<256xf32> to vector<256x1xf32>
    %mul3A_21 = arith.constant 0.001953125 : f32
    %mul3A_22 = vector.broadcast %mul3A_21 : f32 to vector<256x1xf32>
    %mul3A_23 = arith.mulf %broadcast_in_dim3A_20, %mul3A_22 : vector<256x1xf32>
    %mul3A_24 = arith.mulf %mul3A_16, %mul3A_16 : vector<256x1xf32>
    %sub3A = arith.subf %mul3A_23, %mul3A_24 : vector<256x1xf32>
    %add3A_25 = arith.constant 9.99999974E-6 : f32
    %add3A_26 = vector.broadcast %add3A_25 : f32 to vector<256x1xf32>
    %add3A_27 = arith.addf %sub3A, %add3A_26 : vector<256x1xf32>
    %rsqrt3A = math.rsqrt %add3A_27 : vector<256x1xf32>
    %mul3A_28 = vector.broadcast %rsqrt3A : vector<256x1xf32> to vector<256x512xf32>
    %mul3A_29 = arith.mulf %add3A_13, %mul3A_28 : vector<256x512xf32>
    %mul3A_30 = arith.mulf %mul3A_16, %rsqrt3A : vector<256x1xf32>
    %sub3A_31 = vector.broadcast %mul3A_30 : vector<256x1xf32> to vector<256x512xf32>
    %sub3A_32 = arith.subf %mul3A_29, %sub3A_31 : vector<256x512xf32>
    %get3A_33 = arith.constant 0 : index
    %get3A_34 = arith.constant 0 : index
    %get3A_35 = arith.constant 0 : index
    %get3A_36 = vector.load %arg5[%get3A_33, %get3A_34, %get3A_35] : memref<1x1x512xf32, #tpu.memory_space<vmem>>, vector<1x1x512xf32>
    %get3A_37 = vector.shape_cast %get3A_36 : vector<1x1x512xf32> to vector<1x512xf32>
    %mul3A_38 = vector.broadcast %get3A_37 : vector<1x512xf32> to vector<256x512xf32>
    %mul3A_39 = arith.mulf %sub3A_32, %mul3A_38 : vector<256x512xf32>
    %get3A_40 = arith.constant 0 : index
    %get3A_41 = arith.constant 0 : index
    %get3A_42 = arith.constant 0 : index
    %get3A_43 = vector.load %arg6[%get3A_40, %get3A_41, %get3A_42] : memref<1x1x512xf32, #tpu.memory_space<vmem>>, vector<1x1x512xf32>
    %get3A_44 = vector.shape_cast %get3A_43 : vector<1x1x512xf32> to vector<1x512xf32>
    %add3A_45 = vector.broadcast %get3A_44 : vector<1x512xf32> to vector<256x512xf32>
    %add3A_46 = arith.addf %mul3A_39, %add3A_45 : vector<256x512xf32>
    %max3A = arith.constant 0.000000e+00 : f32
    %max3A_47 = vector.broadcast %max3A : f32 to vector<256x512xf32>
    %max3A_48 = arith.maximumf %add3A_46, %max3A_47 : vector<256x512xf32>
    %get3A_49 = arith.constant 0 : index
    %get3A_50 = arith.constant 0 : index
    %get3A_51 = arith.constant 0 : index
    %get3A_52 = vector.load %arg7[%get3A_49, %get3A_50, %get3A_51] : memref<1x512x256xf32, #tpu.memory_space<vmem>>, vector<1x512x256xf32>
    %get3A_53 = vector.shape_cast %get3A_52 : vector<1x512x256xf32> to vector<512x256xf32>
    %dot_general3A_54 = arith.constant dense<0.000000e+00> : vector<256x256xf32>
    %dot_general3A_55 = tpu.matmul %max3A_48, %get3A_53, %dot_general3A_54 {dimension_numbers = #tpu.dot_dimension_numbers<[1], [0], [0], [1], [0, 0, 1, 1], [], []>, transpose_lhs_hint = false} : vector<256x512xf32>, vector<512x256xf32>, vector<256x256xf32> -> vector<256x256xf32>
    %get3A_56 = arith.constant 0 : index
    %get3A_57 = arith.constant 0 : index
    %get3A_58 = arith.constant 0 : index
    %get3A_59 = vector.load %arg8[%get3A_56, %get3A_57, %get3A_58] : memref<1x1x256xf32, #tpu.memory_space<vmem>>, vector<1x1x256xf32>
    %get3A_60 = vector.shape_cast %get3A_59 : vector<1x1x256xf32> to vector<1x256xf32>
    %add3A_61 = vector.broadcast %get3A_60 : vector<1x256xf32> to vector<256x256xf32>
    %add3A_62 = arith.addf %dot_general3A_55, %add3A_61 : vector<256x256xf32>
    %reduce_sum3A_63 = arith.constant dense<0.000000e+00> : vector<256xf32>
    %reduce_sum3A_64 = vector.multi_reduction <add>, %add3A_62, %reduce_sum3A_63 [1] : vector<256x256xf32> to vector<256xf32>
    %broadcast_in_dim3A_65 = vector.shape_cast %reduce_sum3A_64 : vector<256xf32> to vector<256x1xf32>
    %mul3A_66 = arith.constant 3.906250e-03 : f32
    %mul3A_67 = vector.broadcast %mul3A_66 : f32 to vector<256x1xf32>
    %mul3A_68 = arith.mulf %broadcast_in_dim3A_65, %mul3A_67 : vector<256x1xf32>
    %mul3A_69 = arith.mulf %add3A_62, %add3A_62 : vector<256x256xf32>
    %reduce_sum3A_70 = arith.constant dense<0.000000e+00> : vector<256xf32>
    %reduce_sum3A_71 = vector.multi_reduction <add>, %mul3A_69, %reduce_sum3A_70 [1] : vector<256x256xf32> to vector<256xf32>
    %broadcast_in_dim3A_72 = vector.shape_cast %reduce_sum3A_71 : vector<256xf32> to vector<256x1xf32>
    %mul3A_73 = arith.constant 3.906250e-03 : f32
    %mul3A_74 = vector.broadcast %mul3A_73 : f32 to vector<256x1xf32>
    %mul3A_75 = arith.mulf %broadcast_in_dim3A_72, %mul3A_74 : vector<256x1xf32>
    %mul3A_76 = arith.mulf %mul3A_68, %mul3A_68 : vector<256x1xf32>
    %sub3A_77 = arith.subf %mul3A_75, %mul3A_76 : vector<256x1xf32>
    %add3A_78 = arith.constant 9.99999974E-6 : f32
    %add3A_79 = vector.broadcast %add3A_78 : f32 to vector<256x1xf32>
    %add3A_80 = arith.addf %sub3A_77, %add3A_79 : vector<256x1xf32>
    %rsqrt3A_81 = math.rsqrt %add3A_80 : vector<256x1xf32>
    %mul3A_82 = vector.broadcast %rsqrt3A_81 : vector<256x1xf32> to vector<256x256xf32>
    %mul3A_83 = arith.mulf %add3A_62, %mul3A_82 : vector<256x256xf32>
    %mul3A_84 = arith.mulf %mul3A_68, %rsqrt3A_81 : vector<256x1xf32>
    %sub3A_85 = vector.broadcast %mul3A_84 : vector<256x1xf32> to vector<256x256xf32>
    %sub3A_86 = arith.subf %mul3A_83, %sub3A_85 : vector<256x256xf32>
    %get3A_87 = arith.constant 0 : index
    %get3A_88 = arith.constant 0 : index
    %get3A_89 = arith.constant 0 : index
    %get3A_90 = vector.load %arg9[%get3A_87, %get3A_88, %get3A_89] : memref<1x1x256xf32, #tpu.memory_space<vmem>>, vector<1x1x256xf32>
    %get3A_91 = vector.shape_cast %get3A_90 : vector<1x1x256xf32> to vector<1x256xf32>
    %mul3A_92 = vector.broadcast %get3A_91 : vector<1x256xf32> to vector<256x256xf32>
    %mul3A_93 = arith.mulf %sub3A_86, %mul3A_92 : vector<256x256xf32>
    %get3A_94 = arith.constant 0 : index
    %get3A_95 = arith.constant 0 : index
    %get3A_96 = arith.constant 0 : index
    %get3A_97 = vector.load %arg10[%get3A_94, %get3A_95, %get3A_96] : memref<1x1x256xf32, #tpu.memory_space<vmem>>, vector<1x1x256xf32>
    %get3A_98 = vector.shape_cast %get3A_97 : vector<1x1x256xf32> to vector<1x256xf32>
    %add3A_99 = vector.broadcast %get3A_98 : vector<1x256xf32> to vector<256x256xf32>
    %add3A_100 = arith.addf %mul3A_93, %add3A_99 : vector<256x256xf32>
    %max3A_101 = arith.constant 0.000000e+00 : f32
    %max3A_102 = vector.broadcast %max3A_101 : f32 to vector<256x256xf32>
    %max3A_103 = arith.maximumf %add3A_100, %max3A_102 : vector<256x256xf32>
    %get3A_104 = arith.constant 0 : index
    %get3A_105 = arith.constant 0 : index
    %get3A_106 = arith.constant 0 : index
    %get3A_107 = vector.load %arg11[%get3A_104, %get3A_105, %get3A_106] : memref<1x256x128xf32, #tpu.memory_space<vmem>>, vector<1x256x128xf32>
    %get3A_108 = vector.shape_cast %get3A_107 : vector<1x256x128xf32> to vector<256x128xf32>
    %dot_general3A_109 = arith.constant dense<0.000000e+00> : vector<256x128xf32>
    %dot_general3A_110 = tpu.matmul %max3A_103, %get3A_108, %dot_general3A_109 {dimension_numbers = #tpu.dot_dimension_numbers<[1], [0], [0], [1], [0, 0, 1, 1], [], []>, transpose_lhs_hint = false} : vector<256x256xf32>, vector<256x128xf32>, vector<256x128xf32> -> vector<256x128xf32>
    %get3A_111 = arith.constant 0 : index
    %get3A_112 = arith.constant 0 : index
    %get3A_113 = arith.constant 0 : index
    %get3A_114 = vector.load %arg12[%get3A_111, %get3A_112, %get3A_113] : memref<1x1x128xf32, #tpu.memory_space<vmem>>, vector<1x1x128xf32>
    %get3A_115 = vector.shape_cast %get3A_114 : vector<1x1x128xf32> to vector<1x128xf32>
    %add3A_116 = vector.broadcast %get3A_115 : vector<1x128xf32> to vector<256x128xf32>
    %add3A_117 = arith.addf %dot_general3A_110, %add3A_116 : vector<256x128xf32>
    %reduce_sum3A_118 = arith.constant dense<0.000000e+00> : vector<256xf32>
    %reduce_sum3A_119 = vector.multi_reduction <add>, %add3A_117, %reduce_sum3A_118 [1] : vector<256x128xf32> to vector<256xf32>
    %broadcast_in_dim3A_120 = vector.shape_cast %reduce_sum3A_119 : vector<256xf32> to vector<256x1xf32>
    %mul3A_121 = arith.constant 7.812500e-03 : f32
    %mul3A_122 = vector.broadcast %mul3A_121 : f32 to vector<256x1xf32>
    %mul3A_123 = arith.mulf %broadcast_in_dim3A_120, %mul3A_122 : vector<256x1xf32>
    %mul3A_124 = arith.mulf %add3A_117, %add3A_117 : vector<256x128xf32>
    %reduce_sum3A_125 = arith.constant dense<0.000000e+00> : vector<256xf32>
    %reduce_sum3A_126 = vector.multi_reduction <add>, %mul3A_124, %reduce_sum3A_125 [1] : vector<256x128xf32> to vector<256xf32>
    %broadcast_in_dim3A_127 = vector.shape_cast %reduce_sum3A_126 : vector<256xf32> to vector<256x1xf32>
    %mul3A_128 = arith.constant 7.812500e-03 : f32
    %mul3A_129 = vector.broadcast %mul3A_128 : f32 to vector<256x1xf32>
    %mul3A_130 = arith.mulf %broadcast_in_dim3A_127, %mul3A_129 : vector<256x1xf32>
    %mul3A_131 = arith.mulf %mul3A_123, %mul3A_123 : vector<256x1xf32>
    %sub3A_132 = arith.subf %mul3A_130, %mul3A_131 : vector<256x1xf32>
    %add3A_133 = arith.constant 9.99999974E-6 : f32
    %add3A_134 = vector.broadcast %add3A_133 : f32 to vector<256x1xf32>
    %add3A_135 = arith.addf %sub3A_132, %add3A_134 : vector<256x1xf32>
    %rsqrt3A_136 = math.rsqrt %add3A_135 : vector<256x1xf32>
    %mul3A_137 = vector.broadcast %rsqrt3A_136 : vector<256x1xf32> to vector<256x128xf32>
    %mul3A_138 = arith.mulf %add3A_117, %mul3A_137 : vector<256x128xf32>
    %mul3A_139 = arith.mulf %mul3A_123, %rsqrt3A_136 : vector<256x1xf32>
    %sub3A_140 = vector.broadcast %mul3A_139 : vector<256x1xf32> to vector<256x128xf32>
    %sub3A_141 = arith.subf %mul3A_138, %sub3A_140 : vector<256x128xf32>
    %get3A_142 = arith.constant 0 : index
    %get3A_143 = arith.constant 0 : index
    %get3A_144 = arith.constant 0 : index
    %get3A_145 = vector.load %arg13[%get3A_142, %get3A_143, %get3A_144] : memref<1x1x128xf32, #tpu.memory_space<vmem>>, vector<1x1x128xf32>
    %get3A_146 = vector.shape_cast %get3A_145 : vector<1x1x128xf32> to vector<1x128xf32>
    %mul3A_147 = vector.broadcast %get3A_146 : vector<1x128xf32> to vector<256x128xf32>
    %mul3A_148 = arith.mulf %sub3A_141, %mul3A_147 : vector<256x128xf32>
    %get3A_149 = arith.constant 0 : index
    %get3A_150 = arith.constant 0 : index
    %get3A_151 = arith.constant 0 : index
    %get3A_152 = vector.load %arg14[%get3A_149, %get3A_150, %get3A_151] : memref<1x1x128xf32, #tpu.memory_space<vmem>>, vector<1x1x128xf32>
    %get3A_153 = vector.shape_cast %get3A_152 : vector<1x1x128xf32> to vector<1x128xf32>
    %add3A_154 = vector.broadcast %get3A_153 : vector<1x128xf32> to vector<256x128xf32>
    %add3A_155 = arith.addf %mul3A_148, %add3A_154 : vector<256x128xf32>
    %max3A_156 = arith.constant 0.000000e+00 : f32
    %max3A_157 = vector.broadcast %max3A_156 : f32 to vector<256x128xf32>
    %max3A_158 = arith.maximumf %add3A_155, %max3A_157 : vector<256x128xf32>
    %swap3A = arith.constant 0 : index
    %swap3A_159 = arith.constant 0 : index
    %swap3A_160 = vector.load %arg15[%swap3A, %swap3A_159] : memref<256x128xf32, #tpu.memory_space<vmem>>, vector<256x128xf32>
    tpu.vector_store %arg15[%swap3A, %swap3A_159], %max3A_158 {strides = array<i32>} : memref<256x128xf32, #tpu.memory_space<vmem>>, vector<256x128xf32>,
    return
  }
  func.func @transform_0(%arg0: i32, %arg1: memref<48xi32, #tpu.memory_space<smem>>) -> (i32, i32) {
    %c0_i32 = arith.constant 0 : i32
    %c0_i32_0 = arith.constant 0 : i32
    return %arg0, %c0_i32 : i32, i32
  }
  func.func @transform_1(%arg0: i32, %arg1: memref<48xi32, #tpu.memory_space<smem>>) -> (i32, i32, i32) {
    %get3A = arith.index_cast %arg0 : i32 to index
    %get3A_0 = memref.load %arg1[%get3A] : memref<48xi32, #tpu.memory_space<smem>>
    %c0_i32 = arith.constant 0 : i32
    %c0_i32_1 = arith.constant 0 : i32
    %c0_i32_2 = arith.constant 0 : i32
    return %get3A_0, %c0_i32, %c0_i32_1 : i32, i32, i32
  }
  func.func @transform_2(%arg0: i32, %arg1: memref<48xi32, #tpu.memory_space<smem>>) -> (i32, i32, i32) {
    %get3A = arith.index_cast %arg0 : i32 to index
    %get3A_0 = memref.load %arg1[%get3A] : memref<48xi32, #tpu.memory_space<smem>>
    %c0_i32 = arith.constant 0 : i32
    %c0_i32_1 = arith.constant 0 : i32
    %c0_i32_2 = arith.constant 0 : i32
    return %get3A_0, %c0_i32, %c0_i32_1 : i32, i32, i32
  }
  func.func @transform_3(%arg0: i32, %arg1: memref<48xi32, #tpu.memory_space<smem>>) -> (i32, i32, i32) {
    %get3A = arith.index_cast %arg0 : i32 to index
    %get3A_0 = memref.load %arg1[%get3A] : memref<48xi32, #tpu.memory_space<smem>>
    %c0_i32 = arith.constant 0 : i32
    %c0_i32_1 = arith.constant 0 : i32
    %c0_i32_2 = arith.constant 0 : i32
    return %get3A_0, %c0_i32, %c0_i32_1 : i32, i32, i32
  }
  func.func @transform_4(%arg0: i32, %arg1: memref<48xi32, #tpu.memory_space<smem>>) -> (i32, i32, i32) {
    %get3A = arith.index_cast %arg0 : i32 to index
    %get3A_0 = memref.load %arg1[%get3A] : memref<48xi32, #tpu.memory_space<smem>>
    %c0_i32 = arith.constant 0 : i32
    %c0_i32_1 = arith.constant 0 : i32
    %c0_i32_2 = arith.constant 0 : i32
    return %get3A_0, %c0_i32, %c0_i32_1 : i32, i32, i32
  }
  func.func @transform_5(%arg0: i32, %arg1: memref<48xi32, #tpu.memory_space<smem>>) -> (i32, i32, i32) {
    %get3A = arith.index_cast %arg0 : i32 to index
    %get3A_0 = memref.load %arg1[%get3A] : memref<48xi32, #tpu.memory_space<smem>>
    %c0_i32 = arith.constant 0 : i32
    %c0_i32_1 = arith.constant 0 : i32
    %c0_i32_2 = arith.constant 0 : i32
    return %get3A_0, %c0_i32, %c0_i32_1 : i32, i32, i32
  }
  func.func @transform_6(%arg0: i32, %arg1: memref<48xi32, #tpu.memory_space<smem>>) -> (i32, i32, i32) {
    %get3A = arith.index_cast %arg0 : i32 to index
    %get3A_0 = memref.load %arg1[%get3A] : memref<48xi32, #tpu.memory_space<smem>>
    %c0_i32 = arith.constant 0 : i32
    %c0_i32_1 = arith.constant 0 : i32
    %c0_i32_2 = arith.constant 0 : i32
    return %get3A_0, %c0_i32, %c0_i32_1 : i32, i32, i32
  }
  func.func @transform_7(%arg0: i32, %arg1: memref<48xi32, #tpu.memory_space<smem>>) -> (i32, i32, i32) {
    %get3A = arith.index_cast %arg0 : i32 to index
    %get3A_0 = memref.load %arg1[%get3A] : memref<48xi32, #tpu.memory_space<smem>>
    %c0_i32 = arith.constant 0 : i32
    %c0_i32_1 = arith.constant 0 : i32
    %c0_i32_2 = arith.constant 0 : i32
    return %get3A_0, %c0_i32, %c0_i32_1 : i32, i32, i32
  }
  func.func @transform_8(%arg0: i32, %arg1: memref<48xi32, #tpu.memory_space<smem>>) -> (i32, i32, i32) {
    %get3A = arith.index_cast %arg0 : i32 to index
    %get3A_0 = memref.load %arg1[%get3A] : memref<48xi32, #tpu.memory_space<smem>>
    %c0_i32 = arith.constant 0 : i32
    %c0_i32_1 = arith.constant 0 : i32
    %c0_i32_2 = arith.constant 0 : i32
    return %get3A_0, %c0_i32, %c0_i32_1 : i32, i32, i32
  }
  func.func @transform_9(%arg0: i32, %arg1: memref<48xi32, #tpu.memory_space<smem>>) -> (i32, i32, i32) {
    %get3A = arith.index_cast %arg0 : i32 to index
    %get3A_0 = memref.load %arg1[%get3A] : memref<48xi32, #tpu.memory_space<smem>>
    %c0_i32 = arith.constant 0 : i32
    %c0_i32_1 = arith.constant 0 : i32
    %c0_i32_2 = arith.constant 0 : i32
    return %get3A_0, %c0_i32, %c0_i32_1 : i32, i32, i32
  }
  func.func @transform_10(%arg0: i32, %arg1: memref<48xi32, #tpu.memory_space<smem>>) -> (i32, i32, i32) {
    %get3A = arith.index_cast %arg0 : i32 to index
    %get3A_0 = memref.load %arg1[%get3A] : memref<48xi32, #tpu.memory_space<smem>>
    %c0_i32 = arith.constant 0 : i32
    %c0_i32_1 = arith.constant 0 : i32
    %c0_i32_2 = arith.constant 0 : i32
    return %get3A_0, %c0_i32, %c0_i32_1 : i32, i32, i32
  }
  func.func @transform_11(%arg0: i32, %arg1: memref<48xi32, #tpu.memory_space<smem>>) -> (i32, i32, i32) {
    %get3A = arith.index_cast %arg0 : i32 to index
    %get3A_0 = memref.load %arg1[%get3A] : memref<48xi32, #tpu.memory_space<smem>>
    %c0_i32 = arith.constant 0 : i32
    %c0_i32_1 = arith.constant 0 : i32
    %c0_i32_2 = arith.constant 0 : i32
    return %get3A_0, %c0_i32, %c0_i32_1 : i32, i32, i32
  }
  func.func @transform_12(%arg0: i32, %arg1: memref<48xi32, #tpu.memory_space<smem>>) -> (i32, i32, i32) {
    %get3A = arith.index_cast %arg0 : i32 to index
    %get3A_0 = memref.load %arg1[%get3A] : memref<48xi32, #tpu.memory_space<smem>>
    %c0_i32 = arith.constant 0 : i32
    %c0_i32_1 = arith.constant 0 : i32
    %c0_i32_2 = arith.constant 0 : i32
    return %get3A_0, %c0_i32, %c0_i32_1 : i32, i32, i32
  }
  func.func @transform_13(%arg0: i32, %arg1: memref<48xi32, #tpu.memory_space<smem>>) -> (i32, i32) {
    %c0_i32 = arith.constant 0 : i32
    %c0_i32_0 = arith.constant 0 : i32
    return %arg0, %c0_i32 : i32, i32
  }
}

module attributes {stable_mosaic.version = 14 : i64} {
  func.func @_heads_body(%arg0: i32, %arg1: memref<1024x128xf32, #tpu.memory_space<vmem>>, %arg2: memref<1024x128xf32, #tpu.memory_space<vmem>>, %arg3: memref<1024x8xf32, #tpu.memory_space<vmem>>, %arg4: memref<128x128xf32, #tpu.memory_space<vmem>>, %arg5: memref<1x128xf32, #tpu.memory_space<vmem>>, %arg6: memref<128x8xf32, #tpu.memory_space<vmem>>, %arg7: memref<1x8xf32, #tpu.memory_space<vmem>>, %arg8: memref<1024x128xf32, #tpu.memory_space<vmem>>, %arg9: memref<1024x8xf32, #tpu.memory_space<vmem>>) attributes {dimension_semantics = [#tpu.dimension_semantics<arbitrary>], iteration_bounds = array<i64: 4>, scalar_prefetch = 0 : i64, scratch_operands = 0 : i64, tpu.core_type = #tpu.core_type<tc>, window_params = [{transform_indices = @transform_0, window_bounds = array<i64: 1024, 128>}, {transform_indices = @transform_1, window_bounds = array<i64: 1024, 128>}, {transform_indices = @transform_2, window_bounds = array<i64: 1024, 8>}, {pipeline_mode = #tpu.pipeline_mode<synchronous>, transform_indices = @transform_3, window_bounds = array<i64: 128, 128>}, {pipeline_mode = #tpu.pipeline_mode<synchronous>, transform_indices = @transform_4, window_bounds = array<i64: 1, 128>}, {pipeline_mode = #tpu.pipeline_mode<synchronous>, transform_indices = @transform_5, window_bounds = array<i64: 128, 8>}, {pipeline_mode = #tpu.pipeline_mode<synchronous>, transform_indices = @transform_6, window_bounds = array<i64: 1, 8>}, {transform_indices = @transform_7, window_bounds = array<i64: 1024, 128>}, {transform_indices = @transform_8, window_bounds = array<i64: 1024, 8>}]} {
    %get3A = arith.constant 0 : index
    %get3A_0 = arith.constant 2 : index
    %get3A_1 = vector.load %arg3[%get3A, %get3A_0] : memref<1024x8xf32, #tpu.memory_space<vmem>>, vector<1024x1xf32>
    %get3A_2 = arith.constant 0 : index
    %get3A_3 = arith.constant 0 : index
    %get3A_4 = vector.load %arg1[%get3A_2, %get3A_3] : memref<1024x128xf32, #tpu.memory_space<vmem>>, vector<1024x128xf32>
    %mul3A = vector.broadcast %get3A_1 : vector<1024x1xf32> to vector<1024x128xf32>
    %mul3A_5 = arith.mulf %mul3A, %get3A_4 : vector<1024x128xf32>
    %get3A_6 = arith.constant 0 : index
    %get3A_7 = arith.constant 3 : index
    %get3A_8 = vector.load %arg3[%get3A_6, %get3A_7] : memref<1024x8xf32, #tpu.memory_space<vmem>>, vector<1024x1xf32>
    %get3A_9 = arith.constant 0 : index
    %get3A_10 = arith.constant 0 : index
    %get3A_11 = vector.load %arg2[%get3A_9, %get3A_10] : memref<1024x128xf32, #tpu.memory_space<vmem>>, vector<1024x128xf32>
    %mul3A_12 = vector.broadcast %get3A_8 : vector<1024x1xf32> to vector<1024x128xf32>
    %mul3A_13 = arith.mulf %mul3A_12, %get3A_11 : vector<1024x128xf32>
    %add3A = arith.addf %mul3A_5, %mul3A_13 : vector<1024x128xf32>
    %swap3A = arith.constant 0 : index
    %swap3A_14 = arith.constant 0 : index
    %swap3A_15 = vector.load %arg8[%swap3A, %swap3A_14] : memref<1024x128xf32, #tpu.memory_space<vmem>>, vector<1024x128xf32>
    tpu.vector_store %arg8[%swap3A, %swap3A_14], %add3A {strides = array<i32>} : memref<1024x128xf32, #tpu.memory_space<vmem>>, vector<1024x128xf32>,
    %get3A_16 = arith.constant 0 : index
    %get3A_17 = arith.constant 0 : index
    %get3A_18 = vector.load %arg4[%get3A_16, %get3A_17] : memref<128x128xf32, #tpu.memory_space<vmem>>, vector<128x128xf32>
    %dot_general3A = arith.constant dense<0.000000e+00> : vector<1024x128xf32>
    %dot_general3A_19 = tpu.matmul %add3A, %get3A_18, %dot_general3A {dimension_numbers = #tpu.dot_dimension_numbers<[1], [0], [0], [1], [0, 0, 1, 1], [], []>, transpose_lhs_hint = false} : vector<1024x128xf32>, vector<128x128xf32>, vector<1024x128xf32> -> vector<1024x128xf32>
    %get3A_20 = arith.constant 0 : index
    %get3A_21 = arith.constant 0 : index
    %get3A_22 = vector.load %arg5[%get3A_20, %get3A_21] : memref<1x128xf32, #tpu.memory_space<vmem>>, vector<1x128xf32>
    %add3A_23 = vector.broadcast %get3A_22 : vector<1x128xf32> to vector<1024x128xf32>
    %add3A_24 = arith.addf %dot_general3A_19, %add3A_23 : vector<1024x128xf32>
    %max3A = arith.constant 0.000000e+00 : f32
    %max3A_25 = vector.broadcast %max3A : f32 to vector<1024x128xf32>
    %max3A_26 = arith.maximumf %add3A_24, %max3A_25 : vector<1024x128xf32>
    %get3A_27 = arith.constant 0 : index
    %get3A_28 = arith.constant 0 : index
    %get3A_29 = vector.load %arg6[%get3A_27, %get3A_28] : memref<128x8xf32, #tpu.memory_space<vmem>>, vector<128x8xf32>
    %dot_general3A_30 = arith.constant dense<0.000000e+00> : vector<1024x8xf32>
    %dot_general3A_31 = tpu.matmul %max3A_26, %get3A_29, %dot_general3A_30 {dimension_numbers = #tpu.dot_dimension_numbers<[1], [0], [0], [1], [0, 0, 1, 1], [], []>, transpose_lhs_hint = false} : vector<1024x128xf32>, vector<128x8xf32>, vector<1024x8xf32> -> vector<1024x8xf32>
    %get3A_32 = arith.constant 0 : index
    %get3A_33 = arith.constant 0 : index
    %get3A_34 = vector.load %arg7[%get3A_32, %get3A_33] : memref<1x8xf32, #tpu.memory_space<vmem>>, vector<1x8xf32>
    %add3A_35 = vector.broadcast %get3A_34 : vector<1x8xf32> to vector<1024x8xf32>
    %add3A_36 = arith.addf %dot_general3A_31, %add3A_35 : vector<1024x8xf32>
    %swap3A_37 = arith.constant 0 : index
    %swap3A_38 = arith.constant 0 : index
    %swap3A_39 = vector.load %arg9[%swap3A_37, %swap3A_38] : memref<1024x8xf32, #tpu.memory_space<vmem>>, vector<1024x8xf32>
    tpu.vector_store %arg9[%swap3A_37, %swap3A_38], %add3A_36 {strides = array<i32>} : memref<1024x8xf32, #tpu.memory_space<vmem>>, vector<1024x8xf32>,
    return
  }
  func.func @transform_0(%arg0: i32) -> (i32, i32) {
    %c0_i32 = arith.constant 0 : i32
    %c0_i32_0 = arith.constant 0 : i32
    return %arg0, %c0_i32 : i32, i32
  }
  func.func @transform_1(%arg0: i32) -> (i32, i32) {
    %c0_i32 = arith.constant 0 : i32
    %c0_i32_0 = arith.constant 0 : i32
    return %arg0, %c0_i32 : i32, i32
  }
  func.func @transform_2(%arg0: i32) -> (i32, i32) {
    %c0_i32 = arith.constant 0 : i32
    %c0_i32_0 = arith.constant 0 : i32
    return %arg0, %c0_i32 : i32, i32
  }
  func.func @transform_3(%arg0: i32) -> (i32, i32) {
    %c0_i32 = arith.constant 0 : i32
    %c0_i32_0 = arith.constant 0 : i32
    %c0_i32_1 = arith.constant 0 : i32
    return %c0_i32, %c0_i32_0 : i32, i32
  }
  func.func @transform_4(%arg0: i32) -> (i32, i32) {
    %c0_i32 = arith.constant 0 : i32
    %c0_i32_0 = arith.constant 0 : i32
    %c0_i32_1 = arith.constant 0 : i32
    return %c0_i32, %c0_i32_0 : i32, i32
  }
  func.func @transform_5(%arg0: i32) -> (i32, i32) {
    %c0_i32 = arith.constant 0 : i32
    %c0_i32_0 = arith.constant 0 : i32
    %c0_i32_1 = arith.constant 0 : i32
    return %c0_i32, %c0_i32_0 : i32, i32
  }
  func.func @transform_6(%arg0: i32) -> (i32, i32) {
    %c0_i32 = arith.constant 0 : i32
    %c0_i32_0 = arith.constant 0 : i32
    %c0_i32_1 = arith.constant 0 : i32
    return %c0_i32, %c0_i32_0 : i32, i32
  }
  func.func @transform_7(%arg0: i32) -> (i32, i32) {
    %c0_i32 = arith.constant 0 : i32
    %c0_i32_0 = arith.constant 0 : i32
    return %arg0, %c0_i32 : i32, i32
  }
  func.func @transform_8(%arg0: i32) -> (i32, i32) {
    %c0_i32 = arith.constant 0 : i32
    %c0_i32_0 = arith.constant 0 : i32
    return %arg0, %c0_i32 : i32, i32
  }
}

</mosaic_0001>

<sc_bundles>
// kernel: gather_offload_async_start.1
scs
__scs_entry_jumppad:
0x0: {  	(pc) =	sbr.rel $0x88, $3  }
0x1: {  	(tag) =	ssettag $0x0;
	lr =	simm.s32 $0x1  }
0x2: {  	[smem:$0x3F8A] =	sst lr;
	_ =	strace $0xD0000000  }
0x3: {  	_ = 	snop  }
0x4: {  	_ = 	snop  }
0x5: {  	_ = 	snop  }
0x6: {  	_ = 	snop  }
0x7: {  	_ = 	snop  }
__scs_overlays_trampoline_lowered:
0x8: {  	[smem:$0x3F99] =	sst s0  }
0x9: {  	[smem:$0x3F9A] =	sst s1  }
0xa: {  	[smem:$0x3F9B] =	sst s2  }
0xb: {  	[smem:$0x3F9C] =	sst s3  }
0xc: {  	[smem:$0x3F9D] =	sst s4  }
0xd: {  	[smem:$0x3F9E] =	sst s5  }
0xe: {  	[smem:$0x3F9F] =	sst s6  }
0xf: {  	[smem:$0x3FA0] =	sst s7  }
0x10: {  	[smem:$0x3FA1] =	sst s8  }
0x11: {  	[smem:$0x3FA2] =	sst s9;
	s0 =	simm.s32 @!p0 $0x0  }
0x12: {  	s1 =	sld [smem:$0x3F88];
	s0 =	simm.s32 @p0 $0x1  }
0x13: {  	[smem:$0x3FA3] =	sst s0;
	s0 =	simm.s32 @!p1 $0x0  }
0x14: {  	s2 =	sld [smem:$0x3F87];
	s0 =	simm.s32 @p1 $0x1  }
0x15: {  	[smem:$0x3FA4] =	sst s0;
	s0 =	simm.s32 @!p2 $0x0  }
0x16: {  	s3 =	sld [smem:$0x3FDB];
	s0 =	simm.s32 @p2 $0x1  }
0x17: {  	s4 =	simm.s32 $0x1BF5;
	[smem:$0x3FA6] =	sst s0  }
0x18: {  	s0 =	sld [smem:$0x3F89];
	_ =	swait.ge [sflag:s4], $0x0  }
0x19: {  	s7 =	sld [smem:$0x3F8A]  }
0x1a: {  	s8 =	sadd.s32 $0xFFFFE003, lr  }
0x1b: {  	s9 =	sadd.s32 $0xFFFFFEF7, lr;
	s5 =	simm.s32 $0xFFFFFFFF;
	p2 =	slt.u32 s8, $0xFFFFF086  }
0x1c: {  	p1 =	slt.u32 s9, $0xF7A;
	s5 =	simm.s32 @!p2 $0x0  }
0x1d: {  	s5 =	simm.s32 @p1 $0x1;
	p0 =	seq.s32 s7, s2  }
0x1e: {  	s7 =	smul.u32 @!p0 $0xF7A, s2;
	p2 =	seq.s32 @!p0 s5, $0x0  }
0x1f: {  	s9 =	smul.u32 $0xF7A, s1;
	s8 =	simm.s32 @!p0 $0x1BF5;
	p2 =	por !p2, p0  }
0x20: {  	[sflag:s8] =	ssyncset.s32 @!p0 $0xFFFFF086;
	s6 =	sadd.s32 @!p0 s3, s7;
	s7 =	simm.s32 @!p0 $0x108  }
0x21: {  	s3 =	sadd.s32 s3, s9;
	s6 =	sadd.s32 @!p0 $0x88, s6;
	s7 =	simm.s32 @p2 $0x1082  }
0x22: {  	[simem:s7], [sflag:s8] =	dma.local @!p0 [hbm:s6], $0xF7A  }
0x23: {  	s9 =	sor.u32 $0xD0000000, s2;
	s6 =	simm.s32 $0x108;
	_ =	swait.ge @!p0 [sflag:s8], $0x0  }
0x24: {  	s3 =	sadd.s32 $0x88, s3;
	s6 =	simm.s32 @!p1 $0x1082;
	[sflag:s4] =	ssyncset.s32 $0xFFFFF086  }
0x25: {  	[simem:s6], [sflag:s4] =	dma.local [hbm:s3], $0xF7A  }
0x26: {  	[smem:$0x3F8A] =	sst s1;
	(tag) =	ssettag s2;
	_ =	strace s9  }
0x27: {  	s1 =	sld [smem:$0x3F9A]  }
0x28: {  	s2 =	sld [smem:$0x3F9B]  }
0x29: {  	s4 =	sld [smem:$0x3F9D]  }
0x2a: {  	p0 =	seq.s32 s5, $0x0;
	s5 =	sld [smem:$0x3F9E]  }
0x2b: {  	s6 =	sld [smem:$0x3F9F]  }
0x2c: {  	s7 =	sld [smem:$0x3FA0]  }
0x2d: {  	s3 =	simm.s32 $0x108;
	s8 =	sld [smem:$0x3FA1]  }
0x2e: {  	s3 =	simm.s32 @!p0 $0x1082;
	s9 =	sld [smem:$0x3FA2]  }
0x2f: {  	lr =	sadd.s32 s0, s3;
	s0 =	sld [smem:$0x3F99]  }
0x30: {  	s3 =	sld [smem:$0x3F9C]  }
0x31: {  	[smem:$0x3FA5] =	sst s10  }
0x32: {  	s10 =	sld [smem:$0x3FA3];
	_ =	sdelay $0x3  }
0x33: {  	p0 =	seq.s32 s10, $0x1;
	s10 =	sld [smem:$0x3FA5];
	_ =	sdelay $0x3  }
0x34: {  	[smem:$0x3FA5] =	sst s10  }
0x35: {  	s10 =	sld [smem:$0x3FA4];
	_ =	sdelay $0x3  }
0x36: {  	p1 =	seq.s32 s10, $0x1;
	s10 =	sld [smem:$0x3FA5];
	_ =	sdelay $0x3  }
0x37: {  	[smem:$0x3FA5] =	sst s10  }
0x38: {  	s10 =	sld [smem:$0x3FA6]  }
0x39: {  	_ = 	snop;
	(pc) =	sbr.ind lr, $3  }
0x3a: {  	_ = 	snop  }
0x3b: {  	_ = 	snop  }
0x3c: {  	p2 =	seq.s32 s10, $0x1;
	s10 =	sld [smem:$0x3FA5]  }
0x3d: {  	_ =	shalt  }
0x3e: {  	_ =	shalt  }
0x3f: {  	_ =	shalt  }
0x40: {  	_ =	shalt  }
0x41: {  	_ =	shalt  }
0x42: {  	_ =	shalt  }
0x43: {  	_ =	shalt  }
0x44: {  	_ =	shalt  }
0x45: {  	_ =	shalt  }
0x46: {  	_ =	shalt  }
0x47: {  	_ =	shalt  }
0x48: {  	_ =	shalt  }
0x49: {  	_ =	shalt  }
0x4a: {  	_ =	shalt  }
0x4b: {  	_ =	shalt  }
0x4c: {  	_ =	shalt  }
0x4d: {  	_ =	shalt  }
0x4e: {  	_ =	shalt  }
0x4f: {  	_ =	shalt  }
0x50: {  	_ =	shalt  }
0x51: {  	_ =	shalt  }
0x52: {  	_ =	shalt  }
0x53: {  	_ =	shalt  }
0x54: {  	_ =	shalt  }
0x55: {  	_ =	shalt  }
0x56: {  	_ =	shalt  }
0x57: {  	_ =	shalt  }
0x58: {  	_ =	shalt  }
0x59: {  	_ =	shalt  }
0x5a: {  	_ =	shalt  }
0x5b: {  	_ =	shalt  }
0x5c: {  	_ =	shalt  }
0x5d: {  	_ =	shalt  }
0x5e: {  	_ =	shalt  }
0x5f: {  	_ =	shalt  }
0x60: {  	_ =	shalt  }
0x61: {  	_ =	shalt  }
0x62: {  	_ =	shalt  }
0x63: {  	_ =	shalt  }
0x64: {  	_ =	shalt  }
0x65: {  	_ =	shalt  }
0x66: {  	_ =	shalt  }
0x67: {  	_ =	shalt  }
0x68: {  	_ =	shalt  }
0x69: {  	_ =	shalt  }
0x6a: {  	_ =	shalt  }
0x6b: {  	_ =	shalt  }
0x6c: {  	_ =	shalt  }
0x6d: {  	_ =	shalt  }
0x6e: {  	_ =	shalt  }
0x6f: {  	_ =	shalt  }
0x70: {  	_ =	shalt  }
0x71: {  	_ =	shalt  }
0x72: {  	_ =	shalt  }
0x73: {  	_ =	shalt  }
0x74: {  	_ =	shalt  }
0x75: {  	_ =	shalt  }
0x76: {  	_ =	shalt  }
0x77: {  	_ =	shalt  }
0x78: {  	_ =	shalt  }
0x79: {  	_ =	shalt  }
0x7a: {  	_ =	shalt  }
0x7b: {  	_ =	shalt  }
0x7c: {  	_ =	shalt  }
0x7d: {  	_ =	shalt  }
0x7e: {  	_ =	shalt  }
0x7f: {  	_ =	shalt  }
0x80: {  	_ =	shalt  }
0x81: {  	_ =	shalt  }
0x82: {  	_ =	shalt  }
0x83: {  	_ =	shalt  }
0x84: {  	_ =	shalt  }
0x85: {  	_ =	shalt  }
0x86: {  	_ =	shalt  }
0x87: {  	_ =	shalt  }
.Lfunc_end0:
.L_simem_size_0:
called_computation.1_lowered:
.L_overlay_start_0:
0x88: {  	s2 =	sld [smem:$0x3FD9]  }
0x89: {  	s3 =	sld [smem:$0x3FFE];
	_ =	sdelay $0x1  }
0x8a: {  	s1 =	srdreg.scid  }
0x8b: {  	s0 =	sand.u32 $0x1, s1  }
0x8c: {  	s15 =	sshll.u32 s0, $0xA;
	s2 =	sadd.s32 s3, s2  }
0x8d: {  	s2 =	sadd.s32 s2, s15  }
0x8e: {  	[smem:$0x3FB1] =	sst s2  }
0x8f: {  	_ = 	snop  }
0x90: {  	s2 =	sld [smem:$0x3FD0];
	_ =	sdelay $0x2  }
0x91: {  	s16 =	simm.s32 $0xB;
	s4 =	simm.s32 $0x10  }
0x92: {  	[smem:s4], [sflag:s16] =	dma.local [hbm:s2], $0x1  }
0x93: {  	_ =	swait.eq [sflag:s16], $0x1  }
0x94: {  	[sflag:s16] =	ssyncset.done $0x0  }
0x95: {  	[sflag:s16] =	ssyncadd.s32 $0xFFFFFFFF  }
0x96: {  	s17 =	sld [smem:$0x12];
	(tm) =	ssettm $0x1  }
0x97: {  	s18 =	sld [smem:$0x3FFB];
	_ =	sdelay $0x3  }
0x98: {  	_ =	strace s18  }
0x99: {  	s2 =	sld [smem:$0x3FFC];
	_ =	sdelay $0x3  }
0x9a: {  	_ =	strace s2  }
0x9b: {  	s2 =	sld [smem:$0x3FFD];
	_ =	sdelay $0x3  }
0x9c: {  	_ =	strace s2  }
0x9d: {  	_ =	strace $0x8FFFFFFF  }
0x9e: {  	s19 =	sld [smem:$0x3FDB];
	_ =	sdelay $0x1  }
0x9f: {  	s20 =	simm.s32 $_scs_section_size  }
0xa0: {  	s5 =	simm.s32 $_size__tile_overlayer_lowered;
	s6 =	simm.s32 $_tile_overlayer_lowered  }
0xa1: {  	s7 =	simm.s32 $0x1BFF;
	s21 =	sshll.u32 s6, $0x1;
	s4 =	sadd.s32 s20, s19  }
0xa2: {  	s22 =	simm.s32 $0x0;
	s5 =	sshll.u32 s5, $0x1;
	s6 =	sadd.s32 s21, s4  }
0xa3: {  	[timem:s22], [sflag:s7] =	dma.local [hbm:s6], s5  }
0xa4: {  	_ =	swait.ge [sflag:s7], s5  }
0xa5: {  	s5 =	ssub.s32 $0x0, s5;
	[sflag:s7] =	ssyncset.done $0x0  }
0xa6: {  	[sflag:s7] =	ssyncadd.s32 s5;
	_ =	sdelay $0x1  }
0xa7: {  	s23 =	simm.s32 $0x1B8B  }
0xa8: {  	_ =	swait.ge [sflag:s23], $0x1  }
0xa9: {  	[sflag:s23] =	ssyncset.done $0x0  }
0xaa: {  	[sflag:s23] =	ssyncadd.s32 $0xFFFFFFFF  }
0xab: {  	s5 =	sld [smem:$0x0]  }
0xac: {  	s6 =	sand.u32 $0xFFFFFFFE, s1  }
0xad: {  	p0 =	sne.s32 s1, s6  }
0xae: {  	s6 =	sshll.u32 @p0 s6, $0xE  }
0xaf: {  	s6 =	sadd.s32 @p0 $0x11B8D, s6;
	s7 =	sshll.u32 @p0 s5, $0x11  }
0xb0: {  	s6 =	sor.u32 @p0 s7, s6  }
0xb1: {  	[sflag:s6] =	ssyncadd.remote.s32 @p0 $0x1;
	_ =	sdelay $0x1  }
0xb2: {  	s6 =	simm.s32 @p0 $0x1B8D  }
0xb3: {  	_ =	swait.eq @p0 [sflag:s6], $0x1  }
0xb4: {  	[sflag:s6] =	ssyncadd.s32 @p0 $0xFFFFFFFF  }
0xb5: {  	s7 =	sshll.u32 @!p0 s1, $0xE  }
0xb6: {  	s7 =	sor.u32 @!p0 $0x4000, s7;
	s6 =	simm.s32 @!p0 $0x1B8D  }
0xb7: {  	s5 =	sshll.u32 @!p0 s5, $0x11;
	s7 =	sadd.s32 @!p0 $0x11B8D, s7;
	_ =	swait.eq @!p0 [sflag:s6], $0x1  }
0xb8: {  	s5 =	sor.u32 @!p0 s5, s7;
	[sflag:s6] =	ssyncadd.s32 @!p0 $0xFFFFFFFF  }
0xb9: {  	s25 =	simm.s32 $0x1B8E;
	s24 =	sld [smem:$0x3FFE];
	[sflag:s5] =	ssyncadd.remote.s32 @!p0 $0x1  }
0xba: {  	s26 =	simm.s32 $execute0_lowered;
	[smem:$0x3FD2] =	sst s25  }
0xbb: {  	s6 =	sshll.u32 s26, $0x1;
	_ =	strace $0x8000004C;
	[dreg:$0x1] =	wrdreg $0xFFFFFFFF  }
0xbc: {  	s28 =	simm.s32 $_size_execute0_lowered;
	s4 =	sadd.s32 s4, s6;
	[dreg:$0x0] =	wrdreg $0x0  }
0xbd: {  	s6 =	sshll.u32 s28, $0x1;
	[dreg:$0x2] =	wrdreg s4  }
0xbe: {  	[dreg:$0x3] =	wrdreg s6  }
0xbf: {  	[dreg:$0x4] =	wrdreg $0xC0  }
0xc0: {  	_ =	task [dreg:s22], $0x5FFFF  }
0xc1: {  	[dreg:$0x1] =	wrdreg $0xFFFFFFFF  }
0xc2: {  	[dreg:$0x0] =	wrdreg $0x60  }
0xc3: {  	[dreg:$0x2] =	wrdreg s24  }
0xc4: {  	[dreg:$0x3] =	wrdreg s17  }
0xc5: {  	[dreg:$0x4] =	wrdreg $0xA  }
0xc6: {  	_ =	task.clear_ibuf [dreg:s22], $0x5FFFF;
	_ =	strace $0x9000004C  }
0xc7: {  	s29 =	simm.s32 $0xA;
	_ =	strace $0x8000004E  }
0xc8: {  	_ =	swait.ge [sflag:s29], $0x1  }
0xc9: {  	[sflag:s29] =	ssyncadd.s32 $0xFFFFFFFF  }
0xca: {  	_ =	strace $0x9000004E  }
0xcb: {  	_ =	sfence  }
0xcc: {  	s30 =	sld [smem:$0x0];
	_ =	sdelay $0x2  }
0xcd: {  	s31 =	sshll.u32 s1, $0xD;
	s1 =	sshrl.u32 s1, $0x2  }
0xce: {  	s4 =	sand.u32 $0x4000, s31;
	s1 =	sadd.s32 s1, s30  }
0xcf: {  	s0 =	sor.u32 s4, s0;
	s1 =	sshll.u32 s1, $0x11  }
0xd0: {  	s0 =	sor.u32 s1, s0  }
0xd1: {  	s0 =	sadd.s32 $0x8F2B, s0  }
0xd2: {  	[sflag:s0] =	ssyncadd.remote.s32 $0x1  }
0xd3: {  	_ =	sfence.sel $0xFFFF  }
0xd4: {  	[dreg:$0x0] =	wrdreg $0xFFFFFFFF;
	(pc) =	sbr.abs _section_cstart, $3  }
0xd5: {  	[dreg:$0x1] =	wrdreg $0xFFFFFFFF  }
0xd6: {  	_ =	task.clear_ibuf [dreg:s22], $0x2FFFF;
	_ =	strace $0x9FFFFFFF  }
0xd7: {  	(tm) =	ssettm $0x7FFFFFFF  }
tec
execute0_lowered:
.L_overlay_start_1:
0x0: {  	(tag) =	ssettag $0x1  }
0x1: {  	s7 =	rddreg [dreg:$0x0]  }
0x2: {  	s2 =	rddreg [dreg:$0x1]  }
0x3: {  	s0 =	rddreg [dreg:$0x2]  }
0x4: {  	s1 =	srdreg.scid;
	_ =	strace $0x8000004D;
	s4 =	simm.s32 $0x1  }
0x5: {  	s9 =	simm.s32 $0x3;
	s12 =	simm.s32 $0x0;
	s5 =	sshll.u32 s1, $0x4  }
.Ltmp0:
0x6: {  	s1 =	stileid.u32;
	s5 =	sand.u32 $0x10, s5;
	(pc) =	sbr.rel .LBB2_1-.Ltmp0, $4  }
0x7: {  	s10 =	simm.s32 $0x0;
	s3 =	sadd.s32 $0xE00, s7;
	s6 =	sor.u32 s1, s5  }
0x8: {  	[sflag:s4] =	ssyncpa.u1 $0x0;
	s5 =	simm.s32 $0x2;
	s6 =	sshll.u32 s6, $0x7  }
0x9: {  	s7 =	sadd.s32 $0x181000, s7;
	[sflag:s5] =	ssyncpa.u1 $0x0;
	s8 =	sadd.s32 $0x80, s6  }
0xa: {  	vm0 =	vmmov $0xff;
	vm1 =	vcmask $0x3F20;
	[sflag:s9] =	ssyncpa.u1 $0x0;
	s9 =	simm.s32 $0x80;
	s11 =	smov.u32 s6  }
.LBB2_9:
0xb: {  	p0 =	seq.s32 s10, $0x2  }
.Ltmp1:
0xc: {  	_ = 	snop;
	(pc) =	sbr.rel @p0 .LBB2_11-.Ltmp1, $1  }
0xd: {  	_ =	sdelay $0x3  }
.LBB2_10:
0xe: {  	s12 =	sadd.s32 $0x80, s11  }
0xf: {  	s13 =	smov.u32 s6;
	p0 =	slt.s32 s12, s8  }
0x10: {  	s13 =	smov.u32 @p0 s12  }
0x11: {  	s10 =	sadd.s32 $0x1, s10;
	s12 =	smov.u32 s11;
	s11 =	smov.u32 s13  }
.LBB2_1:
0x12: {  	p0 =	sne.s32 s10, $0x0  }
.Ltmp2:
0x13: {  	_ = 	snop;
	(pc) =	sbr.rel @!p0 .LBB2_2-.Ltmp2, $1  }
0x14: {  	_ =	sdelay $0x3  }
0x15: {  	s13 =	sand.u32 $0x1, s10  }
0x16: {  	p0 =	seq.s32 s13, $0x0  }
.Ltmp3:
0x17: {  	_ = 	snop;
	(pc) =	sbr.rel @p0 .LBB2_9-.Ltmp3, $1  }
0x18: {  	_ =	sdelay $0x3  }
0x19: {  	_ =	swait.ge [sflag:s5], $0x80  }
0x1a: {  	[sflag:s5] =	ssyncset.done $0x0  }
0x1b: {  	s13 =	simm.s32 $0x0;
	[sflag:s5] =	ssyncadd.s32 $0xFFFFFF80  }
0x1c: {  	v0 =	vld.msk [tilespmem:s13+$0x80 ss:$0x1], $0xffff;
	_ =	sdelay $0x4  }
0x1d: {  	vm2 =	vgt.s32 v0, $0x0  }
0x1e: {  	v0 =	vnsel vm2, $0x0, v0  }
0x1f: {  	v0 =	vmin.u32 v0, $0x2FFF  }
0x20: {  	v0 =	vshll.u32 v0, $0x4;
	_ =	sdelay $0x3  }
0x21: {  	s13 =	simm.s32 $0x4100  }
0x22: {  	[tilespmem:s13], [sflag:$0x1] =	stream.indirect_vreg.gather [hbm:s3], $0x80, v0, vm0, $0x38;
	[tilespmem:$0x8100] =	vst v63  }
0x23: {  	s14 =	simm.s32 $0x4500;
	s31 =	simm.s32 $0x10  }
0x24: {  	[tilespmem:s14], [sflag:$0x1] =	stream.indirect_vreg.gather [hbm:s3], $0x80, v0, vm1, $0x38;
	[tilespmem:$0x8100] =	vst v63  }
0x25: {  	s14 =	simm.s32 $0x80;
	v0 =	vld.msk [tilespmem:s31+$0x80 ss:$0x1], $0xffff  }
.LBB2_5:
0x26: {  	p0 =	sne.s32 s14, $0x1C0;
	_ =	sdelay $0x4  }
0x27: {  	vm2 =	vgt.s32 v0, $0x0  }
0x28: {  	v0 =	vnsel vm2, $0x0, v0  }
0x29: {  	v0 =	vmin.u32 v0, $0x2FFF  }
0x2a: {  	v0 =	vshll.u32 v0, $0x4;
	_ =	sdelay $0x3  }
.Ltmp4:
0x2b: {  	s13 =	sadd.s32 $0x800, s13;
	(pc) =	sbr.rel @p0 .LBB2_5-.Ltmp4, $4  }
0x2c: {  	[tilespmem:s13], [sflag:$0x1] =	stream.indirect_vreg.gather [hbm:s3], $0x80, v0, vm0, $0x38;
	[tilespmem:$0x8100] =	vst v63  }
0x2d: {  	s15 =	sshra.s32 s14, $0x2;
	s16 =	sadd.s32 $0x400, s13  }
0x2e: {  	[tilespmem:s16], [sflag:$0x1] =	stream.indirect_vreg.gather [hbm:s3], $0x80, v0, vm1, $0x38;
	[tilespmem:$0x8100] =	vst v63  }
0x2f: {  	s14 =	sadd.s32 $0x40, s14;
	v0 =	vld.msk [tilespmem:s15+$0x80 ss:$0x1], $0xffff  }
0x30: {  	_ =	sdelay $0x3  }
0x31: {  	vm2 =	vgt.s32 v0, $0x0  }
0x32: {  	v0 =	vnsel vm2, $0x0, v0  }
0x33: {  	v0 =	vmin.u32 v0, $0x2FFF  }
0x34: {  	v0 =	vshll.u32 v0, $0x4;
	_ =	sdelay $0x3  }
0x35: {  	s13 =	sadd.s32 $0x800, s13  }
0x36: {  	[tilespmem:s13], [sflag:$0x1] =	stream.indirect_vreg.gather [hbm:s3], $0x80, v0, vm0, $0x38;
	[tilespmem:$0x8100] =	vst v63  }
0x37: {  	s13 =	sadd.s32 $0x400, s13  }
0x38: {  	[tilespmem:s13], [sflag:$0x1] =	stream.indirect_vreg.gather [hbm:s3], $0x80, v0, vm1, $0x38;
	[tilespmem:$0x8100] =	vst v63  }
0x39: {  	s12 =	sshll.u32 s12, $0x4;
	s14 =	simm.s32 $0x80;
	_ =	swait.ge [sflag:s4], $0x4000  }
0x3a: {  	s15 =	simm.s32 $0x4500;
	s12 =	sadd.s32 s12, s2;
	[sflag:s4] =	ssyncset.done $0x0  }
0x3b: {  	s16 =	sadd.s32 $0x0, s12;
	s13 =	simm.s32 $0x4100;
	[sflag:s4] =	ssyncadd.s32 $0xFFFFC000  }
.LBB2_7:
0x3c: {  	[hbm:s16] =	stream.linear.scatter [tilespmem:s13], [sflag:$0x3], $0x400, $0x38;
	[tilespmem:$0x8100] =	vst v63  }
0x3d: {  	s16 =	smov.u32 s14;
	s13 =	smov.u32 s15;
	p0 =	sne.s32 s14, $0x780  }
.Ltmp5:
0x3e: {  	s14 =	sadd.s32 $0x80, s14;
	(pc) =	sbr.rel @p0 .LBB2_7-.Ltmp5, $2  }
0x3f: {  	_ =	sdelay $0x2  }
0x40: {  	s15 =	sadd.s32 $0x400, s15;
	s16 =	sadd.s32 s16, s12  }
.Ltmp6:
0x41: {  	(pc) =	sbr.rel .LBB2_9-.Ltmp6, $2  }
0x42: {  	_ =	sdelay $0x2  }
0x43: {  	[hbm:s16] =	stream.linear.scatter [tilespmem:s13], [sflag:$0x3], $0x400, $0x38;
	[tilespmem:$0x8100] =	vst v63  }
.LBB2_2:
.Ltmp7:
0x44: {  	(pc) =	sbr.rel .LBB2_10-.Ltmp7, $4  }
0x45: {  	_ = 	snop  }
0x46: {  	s12 =	sshrl.u32 s11, $0x3  }
0x47: {  	s13 =	sand.u32 $0x7, s11;
	s12 =	sadd.s32 s7, s12  }
0x48: {  	[tilespmem:s9], [sflag:$0x2] =	stream.linear.gather [hbm4b:s12+s13], $0x80, $0x38;
	[tilespmem:$0x8100] =	vst v63  }
.LBB2_11:
0x49: {  	s2 =	simm.s32 $0x3  }
0x4a: {  	_ =	swait.ge [sflag:s2], $0x4000  }
0x4b: {  	[sflag:s2] =	ssyncset.done $0x0  }
0x4c: {  	[sflag:s2] =	ssyncadd.s32 $0xFFFFC000  }
0x4d: {  	_ =	sfence.sel $0x180000  }
0x4e: {  	s3 =	simm.s32 $0x2;
	[bflag:$0x0] =	sbarrier.arrive $0xFFFF  }
0x4f: {  	[sflag:s3] =	ssyncpa.u1 $0x1  }
0x50: {  	s31 =	simm.s32 $0x1;
	[sflag:s2] =	ssyncpa.u1 $0x1  }
0x51: {  	[sflag:s31] =	ssyncpa.u1 $0x1  }
0x52: {  	p0 =	sne.s32 s1, $0x0;
	_ =	strace $0x9000004D  }
0x53: {  	s0 =	sadd.s32 @!p0 $0x100000, s0;
	[bflag:$0x2] =	sbarrier.arrive $0xFFFF  }
0x54: {  	[sflag:s0] =	ssyncadd.tile.s32 @!p0 $0x1;
	_ =	shalt  }
.Lfunc_end2:
_tile_overlayer_lowered:
.L_overlay_start_2:
0x55: {  	(tag) =	ssettag $0x2  }
0x56: {  	s0 =	rddreg [dreg:$0x0];
	s2 =	stileid.u32  }
0x57: {  	s1 =	rddreg [dreg:$0x1];
	p0 =	sne.s32 s2, $0x0  }
0x58: {  	s3 =	rddreg [dreg:$0x2];
	[bflag:$0x3] =	sbarrier.arrive $0xFFFF;
	s2 =	simm.s32 @!p0 $0x1C01  }
0x59: {  	[timem:s3], [sflag:s2] =	dma.local @!p0 [hbm:s0], s1  }
0x5a: {  	s0 =	simm.s32 @!p0 $0x1  }
0x5b: {  	_ =	swait.ge @!p0 [sflag:s0], s1  }
0x5c: {  	s1 =	ssub.s32 @!p0 $0x0, s1;
	[sflag:s0] =	ssyncset.done @!p0 $0x0  }
0x5d: {  	[sflag:s0] =	ssyncadd.s32 @!p0 s1  }
0x5e: {  	[bflag:$0x3] =	sbarrier.arrive $0xFFFF  }
0x5f: {  	_ =	shalt  }

// kernel: gather_offload_async_start
scs
__scs_entry_jumppad:
0x0: {  	(pc) =	sbr.rel $0x88, $3  }
0x1: {  	(tag) =	ssettag $0x0;
	lr =	simm.s32 $0x1  }
0x2: {  	[smem:$0x3F8A] =	sst lr;
	_ =	strace $0xD0000000  }
0x3: {  	_ = 	snop  }
0x4: {  	_ = 	snop  }
0x5: {  	_ = 	snop  }
0x6: {  	_ = 	snop  }
0x7: {  	_ = 	snop  }
__scs_overlays_trampoline_lowered:
0x8: {  	[smem:$0x3F99] =	sst s0  }
0x9: {  	[smem:$0x3F9A] =	sst s1  }
0xa: {  	[smem:$0x3F9B] =	sst s2  }
0xb: {  	[smem:$0x3F9C] =	sst s3  }
0xc: {  	[smem:$0x3F9D] =	sst s4  }
0xd: {  	[smem:$0x3F9E] =	sst s5  }
0xe: {  	[smem:$0x3F9F] =	sst s6  }
0xf: {  	[smem:$0x3FA0] =	sst s7  }
0x10: {  	[smem:$0x3FA1] =	sst s8  }
0x11: {  	[smem:$0x3FA2] =	sst s9;
	s0 =	simm.s32 @!p0 $0x0  }
0x12: {  	s1 =	sld [smem:$0x3F88];
	s0 =	simm.s32 @p0 $0x1  }
0x13: {  	[smem:$0x3FA3] =	sst s0;
	s0 =	simm.s32 @!p1 $0x0  }
0x14: {  	s2 =	sld [smem:$0x3F87];
	s0 =	simm.s32 @p1 $0x1  }
0x15: {  	[smem:$0x3FA4] =	sst s0;
	s0 =	simm.s32 @!p2 $0x0  }
0x16: {  	s3 =	sld [smem:$0x3FDB];
	s0 =	simm.s32 @p2 $0x1  }
0x17: {  	s4 =	simm.s32 $0x1BF5;
	[smem:$0x3FA6] =	sst s0  }
0x18: {  	s0 =	sld [smem:$0x3F89];
	_ =	swait.ge [sflag:s4], $0x0  }
0x19: {  	s7 =	sld [smem:$0x3F8A]  }
0x1a: {  	s8 =	sadd.s32 $0xFFFFE003, lr  }
0x1b: {  	s9 =	sadd.s32 $0xFFFFFEF7, lr;
	s5 =	simm.s32 $0xFFFFFFFF;
	p2 =	slt.u32 s8, $0xFFFFF086  }
0x1c: {  	p1 =	slt.u32 s9, $0xF7A;
	s5 =	simm.s32 @!p2 $0x0  }
0x1d: {  	s5 =	simm.s32 @p1 $0x1;
	p0 =	seq.s32 s7, s2  }
0x1e: {  	s7 =	smul.u32 @!p0 $0xF7A, s2;
	p2 =	seq.s32 @!p0 s5, $0x0  }
0x1f: {  	s9 =	smul.u32 $0xF7A, s1;
	s8 =	simm.s32 @!p0 $0x1BF5;
	p2 =	por !p2, p0  }
0x20: {  	[sflag:s8] =	ssyncset.s32 @!p0 $0xFFFFF086;
	s6 =	sadd.s32 @!p0 s3, s7;
	s7 =	simm.s32 @!p0 $0x108  }
0x21: {  	s3 =	sadd.s32 s3, s9;
	s6 =	sadd.s32 @!p0 $0x88, s6;
	s7 =	simm.s32 @p2 $0x1082  }
0x22: {  	[simem:s7], [sflag:s8] =	dma.local @!p0 [hbm:s6], $0xF7A  }
0x23: {  	s9 =	sor.u32 $0xD0000000, s2;
	s6 =	simm.s32 $0x108;
	_ =	swait.ge @!p0 [sflag:s8], $0x0  }
0x24: {  	s3 =	sadd.s32 $0x88, s3;
	s6 =	simm.s32 @!p1 $0x1082;
	[sflag:s4] =	ssyncset.s32 $0xFFFFF086  }
0x25: {  	[simem:s6], [sflag:s4] =	dma.local [hbm:s3], $0xF7A  }
0x26: {  	[smem:$0x3F8A] =	sst s1;
	(tag) =	ssettag s2;
	_ =	strace s9  }
0x27: {  	s1 =	sld [smem:$0x3F9A]  }
0x28: {  	s2 =	sld [smem:$0x3F9B]  }
0x29: {  	s4 =	sld [smem:$0x3F9D]  }
0x2a: {  	p0 =	seq.s32 s5, $0x0;
	s5 =	sld [smem:$0x3F9E]  }
0x2b: {  	s6 =	sld [smem:$0x3F9F]  }
0x2c: {  	s7 =	sld [smem:$0x3FA0]  }
0x2d: {  	s3 =	simm.s32 $0x108;
	s8 =	sld [smem:$0x3FA1]  }
0x2e: {  	s3 =	simm.s32 @!p0 $0x1082;
	s9 =	sld [smem:$0x3FA2]  }
0x2f: {  	lr =	sadd.s32 s0, s3;
	s0 =	sld [smem:$0x3F99]  }
0x30: {  	s3 =	sld [smem:$0x3F9C]  }
0x31: {  	[smem:$0x3FA5] =	sst s10  }
0x32: {  	s10 =	sld [smem:$0x3FA3];
	_ =	sdelay $0x3  }
0x33: {  	p0 =	seq.s32 s10, $0x1;
	s10 =	sld [smem:$0x3FA5];
	_ =	sdelay $0x3  }
0x34: {  	[smem:$0x3FA5] =	sst s10  }
0x35: {  	s10 =	sld [smem:$0x3FA4];
	_ =	sdelay $0x3  }
0x36: {  	p1 =	seq.s32 s10, $0x1;
	s10 =	sld [smem:$0x3FA5];
	_ =	sdelay $0x3  }
0x37: {  	[smem:$0x3FA5] =	sst s10  }
0x38: {  	s10 =	sld [smem:$0x3FA6]  }
0x39: {  	_ = 	snop;
	(pc) =	sbr.ind lr, $3  }
0x3a: {  	_ = 	snop  }
0x3b: {  	_ = 	snop  }
0x3c: {  	p2 =	seq.s32 s10, $0x1;
	s10 =	sld [smem:$0x3FA5]  }
0x3d: {  	_ =	shalt  }
0x3e: {  	_ =	shalt  }
0x3f: {  	_ =	shalt  }
0x40: {  	_ =	shalt  }
0x41: {  	_ =	shalt  }
0x42: {  	_ =	shalt  }
0x43: {  	_ =	shalt  }
0x44: {  	_ =	shalt  }
0x45: {  	_ =	shalt  }
0x46: {  	_ =	shalt  }
0x47: {  	_ =	shalt  }
0x48: {  	_ =	shalt  }
0x49: {  	_ =	shalt  }
0x4a: {  	_ =	shalt  }
0x4b: {  	_ =	shalt  }
0x4c: {  	_ =	shalt  }
0x4d: {  	_ =	shalt  }
0x4e: {  	_ =	shalt  }
0x4f: {  	_ =	shalt  }
0x50: {  	_ =	shalt  }
0x51: {  	_ =	shalt  }
0x52: {  	_ =	shalt  }
0x53: {  	_ =	shalt  }
0x54: {  	_ =	shalt  }
0x55: {  	_ =	shalt  }
0x56: {  	_ =	shalt  }
0x57: {  	_ =	shalt  }
0x58: {  	_ =	shalt  }
0x59: {  	_ =	shalt  }
0x5a: {  	_ =	shalt  }
0x5b: {  	_ =	shalt  }
0x5c: {  	_ =	shalt  }
0x5d: {  	_ =	shalt  }
0x5e: {  	_ =	shalt  }
0x5f: {  	_ =	shalt  }
0x60: {  	_ =	shalt  }
0x61: {  	_ =	shalt  }
0x62: {  	_ =	shalt  }
0x63: {  	_ =	shalt  }
0x64: {  	_ =	shalt  }
0x65: {  	_ =	shalt  }
0x66: {  	_ =	shalt  }
0x67: {  	_ =	shalt  }
0x68: {  	_ =	shalt  }
0x69: {  	_ =	shalt  }
0x6a: {  	_ =	shalt  }
0x6b: {  	_ =	shalt  }
0x6c: {  	_ =	shalt  }
0x6d: {  	_ =	shalt  }
0x6e: {  	_ =	shalt  }
0x6f: {  	_ =	shalt  }
0x70: {  	_ =	shalt  }
0x71: {  	_ =	shalt  }
0x72: {  	_ =	shalt  }
0x73: {  	_ =	shalt  }
0x74: {  	_ =	shalt  }
0x75: {  	_ =	shalt  }
0x76: {  	_ =	shalt  }
0x77: {  	_ =	shalt  }
0x78: {  	_ =	shalt  }
0x79: {  	_ =	shalt  }
0x7a: {  	_ =	shalt  }
0x7b: {  	_ =	shalt  }
0x7c: {  	_ =	shalt  }
0x7d: {  	_ =	shalt  }
0x7e: {  	_ =	shalt  }
0x7f: {  	_ =	shalt  }
0x80: {  	_ =	shalt  }
0x81: {  	_ =	shalt  }
0x82: {  	_ =	shalt  }
0x83: {  	_ =	shalt  }
0x84: {  	_ =	shalt  }
0x85: {  	_ =	shalt  }
0x86: {  	_ =	shalt  }
0x87: {  	_ =	shalt  }
.Lfunc_end0:
.L_simem_size_0:
called_computation_lowered:
.L_overlay_start_0:
0x88: {  	s2 =	sld [smem:$0x3FD9]  }
0x89: {  	s3 =	sld [smem:$0x3FFE];
	_ =	sdelay $0x1  }
0x8a: {  	s1 =	srdreg.scid  }
0x8b: {  	s0 =	sand.u32 $0x1, s1  }
0x8c: {  	s16 =	sshll.u32 s0, $0xA;
	s2 =	sadd.s32 s3, s2  }
0x8d: {  	s2 =	sadd.s32 s2, s16  }
0x8e: {  	[smem:$0x3FB1] =	sst s2  }
0x8f: {  	_ = 	snop  }
0x90: {  	(tm) =	ssettm $0x1  }
0x91: {  	s17 =	sld [smem:$0x3FFB];
	_ =	sdelay $0x3  }
0x92: {  	_ =	strace s17  }
0x93: {  	s2 =	sld [smem:$0x3FFC];
	_ =	sdelay $0x3  }
0x94: {  	_ =	strace s2  }
0x95: {  	s2 =	sld [smem:$0x3FFD];
	_ =	sdelay $0x3  }
0x96: {  	_ =	strace s2  }
0x97: {  	_ =	strace $0x8FFFFFFF  }
0x98: {  	s18 =	sld [smem:$0x3FDB];
	_ =	sdelay $0x1  }
0x99: {  	s19 =	simm.s32 $_scs_section_size  }
0x9a: {  	s4 =	simm.s32 $_size__tile_overlayer_lowered;
	s5 =	simm.s32 $_tile_overlayer_lowered  }
0x9b: {  	s22 =	simm.s32 $0x1BFF;
	s21 =	sshll.u32 s5, $0x1;
	s2 =	sadd.s32 s19, s18  }
0x9c: {  	s6 =	simm.s32 $0x0;
	s20 =	sshll.u32 s4, $0x1;
	s4 =	sadd.s32 s21, s2  }
0x9d: {  	[timem:s6], [sflag:s22] =	dma.local [hbm:s4], s20  }
0x9e: {  	_ =	swait.ge [sflag:s22], s20  }
0x9f: {  	s3 =	ssub.s32 $0x0, s20;
	[sflag:s22] =	ssyncset.done $0x0  }
0xa0: {  	[sflag:s22] =	ssyncadd.s32 s3;
	_ =	sdelay $0x1  }
0xa1: {  	s23 =	simm.s32 $0x1B8B  }
0xa2: {  	_ =	swait.ge [sflag:s23], $0x1  }
0xa3: {  	[sflag:s23] =	ssyncset.done $0x0  }
0xa4: {  	s25 =	simm.s32 $0x1B8E;
	s24 =	sld [smem:$0x3FFE];
	[sflag:s23] =	ssyncadd.s32 $0xFFFFFFFF  }
0xa5: {  	s26 =	simm.s32 $execute0_lowered;
	[smem:$0x3FD2] =	sst s25  }
0xa6: {  	s4 =	sshll.u32 s26, $0x1;
	_ =	strace $0x80000049;
	[dreg:$0x1] =	wrdreg $0xFFFFFFFF  }
0xa7: {  	s28 =	simm.s32 $_size_execute0_lowered;
	s2 =	sadd.s32 s2, s4;
	[dreg:$0x0] =	wrdreg $0x0  }
0xa8: {  	s4 =	sshll.u32 s28, $0x1;
	[dreg:$0x2] =	wrdreg s2  }
0xa9: {  	[dreg:$0x3] =	wrdreg s4  }
0xaa: {  	[dreg:$0x4] =	wrdreg $0xC0  }
0xab: {  	_ =	task [dreg:s6], $0x5FFFF  }
0xac: {  	[dreg:$0x1] =	wrdreg $0xFFFFFFFF  }
0xad: {  	[dreg:$0x0] =	wrdreg $0x60  }
0xae: {  	[dreg:$0x2] =	wrdreg s24  }
0xaf: {  	[dreg:$0x3] =	wrdreg $0x9  }
0xb0: {  	_ =	task.clear_ibuf [dreg:s6], $0x4FFFF;
	_ =	strace $0x90000049  }
0xb1: {  	s29 =	simm.s32 $0x9;
	_ =	strace $0x8000004B  }
0xb2: {  	_ =	swait.ge [sflag:s29], $0x1  }
0xb3: {  	[sflag:s29] =	ssyncadd.s32 $0xFFFFFFFF  }
0xb4: {  	_ =	strace $0x9000004B  }
0xb5: {  	_ =	sfence  }
0xb6: {  	s30 =	sld [smem:$0x0];
	_ =	sdelay $0x2  }
0xb7: {  	s31 =	sshll.u32 s1, $0xD;
	s1 =	sshrl.u32 s1, $0x2  }
0xb8: {  	s3 =	sand.u32 $0x4000, s31;
	s1 =	sadd.s32 s1, s30  }
0xb9: {  	s0 =	sor.u32 s3, s0;
	s1 =	sshll.u32 s1, $0x11  }
0xba: {  	s0 =	sor.u32 s1, s0  }
0xbb: {  	s0 =	sadd.s32 $0x8F2B, s0  }
0xbc: {  	[sflag:s0] =	ssyncadd.remote.s32 $0x1  }
0xbd: {  	_ =	sfence.sel $0xFFFF  }
0xbe: {  	[dreg:$0x0] =	wrdreg $0xFFFFFFFF;
	(pc) =	sbr.abs _section_cstart, $3  }
0xbf: {  	[dreg:$0x1] =	wrdreg $0xFFFFFFFF  }
0xc0: {  	_ =	task.clear_ibuf [dreg:s6], $0x2FFFF;
	_ =	strace $0x9FFFFFFF  }
0xc1: {  	(tm) =	ssettm $0x7FFFFFFF  }
tec
execute0_lowered:
.L_overlay_start_1:
0x0: {  	(tag) =	ssettag $0x1  }
0x1: {  	s7 =	rddreg [dreg:$0x0]  }
0x2: {  	s0 =	rddreg [dreg:$0x1];
	_ =	strace $0x8000004A  }
0x3: {  	s1 =	srdreg.scid;
	s4 =	simm.s32 $0x1;
	s9 =	simm.s32 $0x3  }
0x4: {  	s12 =	simm.s32 $0x0;
	s10 =	simm.s32 $0x0;
	s5 =	sshll.u32 s1, $0x4  }
.Ltmp0:
0x5: {  	s1 =	stileid.u32;
	s5 =	sand.u32 $0x10, s5;
	(pc) =	sbr.rel .LBB2_1-.Ltmp0, $4  }
0x6: {  	s2 =	sadd.s32 $0xE00, s7;
	s3 =	sadd.s32 $0x180E00, s7;
	s6 =	sor.u32 s1, s5  }
0x7: {  	[sflag:s4] =	ssyncpa.u1 $0x0;
	s5 =	simm.s32 $0x2;
	s6 =	sshll.u32 s6, $0x7  }
0x8: {  	s7 =	sadd.s32 $0x30E00, s7;
	[sflag:s5] =	ssyncpa.u1 $0x0;
	s8 =	sadd.s32 $0x80, s6  }
0x9: {  	vm0 =	vmmov $0xff;
	vm1 =	vcmask $0x3F20;
	[sflag:s9] =	ssyncpa.u1 $0x0;
	s9 =	simm.s32 $0x80;
	s11 =	smov.u32 s6  }
.LBB2_9:
0xa: {  	p0 =	seq.s32 s10, $0x2  }
.Ltmp1:
0xb: {  	_ = 	snop;
	(pc) =	sbr.rel @p0 .LBB2_11-.Ltmp1, $1  }
0xc: {  	_ =	sdelay $0x3  }
.LBB2_10:
0xd: {  	s12 =	sadd.s32 $0x80, s11  }
0xe: {  	s13 =	smov.u32 s6;
	p0 =	slt.s32 s12, s8  }
0xf: {  	s13 =	smov.u32 @p0 s12  }
0x10: {  	s10 =	sadd.s32 $0x1, s10;
	s12 =	smov.u32 s11;
	s11 =	smov.u32 s13  }
.LBB2_1:
0x11: {  	p0 =	sne.s32 s10, $0x0  }
.Ltmp2:
0x12: {  	_ = 	snop;
	(pc) =	sbr.rel @!p0 .LBB2_2-.Ltmp2, $1  }
0x13: {  	_ =	sdelay $0x3  }
0x14: {  	s13 =	sand.u32 $0x1, s10  }
0x15: {  	p0 =	seq.s32 s13, $0x0  }
.Ltmp3:
0x16: {  	_ = 	snop;
	(pc) =	sbr.rel @p0 .LBB2_9-.Ltmp3, $1  }
0x17: {  	_ =	sdelay $0x3  }
0x18: {  	_ =	swait.ge [sflag:s5], $0x80  }
0x19: {  	[sflag:s5] =	ssyncset.done $0x0  }
0x1a: {  	s13 =	simm.s32 $0x0;
	[sflag:s5] =	ssyncadd.s32 $0xFFFFFF80  }
0x1b: {  	v0 =	vld.msk [tilespmem:s13+$0x80 ss:$0x1], $0xffff;
	_ =	sdelay $0x4  }
0x1c: {  	vm2 =	vgt.s32 v0, $0x0  }
0x1d: {  	v0 =	vnsel vm2, $0x0, v0  }
0x1e: {  	v0 =	vmin.u32 v0, $0x2FFF  }
0x1f: {  	v0 =	vshll.u32 v0, $0x4;
	_ =	sdelay $0x3  }
0x20: {  	s13 =	simm.s32 $0x4100  }
0x21: {  	[tilespmem:s13], [sflag:$0x1] =	stream.indirect_vreg.gather [hbm:s2], $0x80, v0, vm0, $0x38;
	[tilespmem:$0x8100] =	vst v63  }
0x22: {  	s14 =	simm.s32 $0x4500;
	s31 =	simm.s32 $0x10  }
0x23: {  	[tilespmem:s14], [sflag:$0x1] =	stream.indirect_vreg.gather [hbm:s2], $0x80, v0, vm1, $0x38;
	[tilespmem:$0x8100] =	vst v63  }
0x24: {  	s14 =	simm.s32 $0x80;
	v0 =	vld.msk [tilespmem:s31+$0x80 ss:$0x1], $0xffff  }
.LBB2_5:
0x25: {  	p0 =	sne.s32 s14, $0x1C0;
	_ =	sdelay $0x4  }
0x26: {  	vm2 =	vgt.s32 v0, $0x0  }
0x27: {  	v0 =	vnsel vm2, $0x0, v0  }
0x28: {  	v0 =	vmin.u32 v0, $0x2FFF  }
0x29: {  	v0 =	vshll.u32 v0, $0x4;
	_ =	sdelay $0x3  }
.Ltmp4:
0x2a: {  	s13 =	sadd.s32 $0x800, s13;
	(pc) =	sbr.rel @p0 .LBB2_5-.Ltmp4, $4  }
0x2b: {  	[tilespmem:s13], [sflag:$0x1] =	stream.indirect_vreg.gather [hbm:s2], $0x80, v0, vm0, $0x38;
	[tilespmem:$0x8100] =	vst v63  }
0x2c: {  	s15 =	sshra.s32 s14, $0x2;
	s16 =	sadd.s32 $0x400, s13  }
0x2d: {  	[tilespmem:s16], [sflag:$0x1] =	stream.indirect_vreg.gather [hbm:s2], $0x80, v0, vm1, $0x38;
	[tilespmem:$0x8100] =	vst v63  }
0x2e: {  	s14 =	sadd.s32 $0x40, s14;
	v0 =	vld.msk [tilespmem:s15+$0x80 ss:$0x1], $0xffff  }
0x2f: {  	_ =	sdelay $0x3  }
0x30: {  	vm2 =	vgt.s32 v0, $0x0  }
0x31: {  	v0 =	vnsel vm2, $0x0, v0  }
0x32: {  	v0 =	vmin.u32 v0, $0x2FFF  }
0x33: {  	v0 =	vshll.u32 v0, $0x4;
	_ =	sdelay $0x3  }
0x34: {  	s13 =	sadd.s32 $0x800, s13  }
0x35: {  	[tilespmem:s13], [sflag:$0x1] =	stream.indirect_vreg.gather [hbm:s2], $0x80, v0, vm0, $0x38;
	[tilespmem:$0x8100] =	vst v63  }
0x36: {  	s13 =	sadd.s32 $0x400, s13  }
0x37: {  	[tilespmem:s13], [sflag:$0x1] =	stream.indirect_vreg.gather [hbm:s2], $0x80, v0, vm1, $0x38;
	[tilespmem:$0x8100] =	vst v63  }
0x38: {  	s12 =	sshll.u32 s12, $0x4;
	s14 =	simm.s32 $0x80;
	_ =	swait.ge [sflag:s4], $0x4000  }
0x39: {  	s15 =	simm.s32 $0x4500;
	s12 =	sadd.s32 s12, s7;
	[sflag:s4] =	ssyncset.done $0x0  }
0x3a: {  	s16 =	sadd.s32 $0x0, s12;
	s13 =	simm.s32 $0x4100;
	[sflag:s4] =	ssyncadd.s32 $0xFFFFC000  }
.LBB2_7:
0x3b: {  	[hbm:s16] =	stream.linear.scatter [tilespmem:s13], [sflag:$0x3], $0x400, $0x38;
	[tilespmem:$0x8100] =	vst v63  }
0x3c: {  	s16 =	smov.u32 s14;
	s13 =	smov.u32 s15;
	p0 =	sne.s32 s14, $0x780  }
.Ltmp5:
0x3d: {  	s14 =	sadd.s32 $0x80, s14;
	(pc) =	sbr.rel @p0 .LBB2_7-.Ltmp5, $2  }
0x3e: {  	_ =	sdelay $0x2  }
0x3f: {  	s15 =	sadd.s32 $0x400, s15;
	s16 =	sadd.s32 s16, s12  }
.Ltmp6:
0x40: {  	(pc) =	sbr.rel .LBB2_9-.Ltmp6, $2  }
0x41: {  	_ =	sdelay $0x2  }
0x42: {  	[hbm:s16] =	stream.linear.scatter [tilespmem:s13], [sflag:$0x3], $0x400, $0x38;
	[tilespmem:$0x8100] =	vst v63  }
.LBB2_2:
.Ltmp7:
0x43: {  	(pc) =	sbr.rel .LBB2_10-.Ltmp7, $4  }
0x44: {  	_ = 	snop  }
0x45: {  	s12 =	sshrl.u32 s11, $0x3  }
0x46: {  	s13 =	sand.u32 $0x7, s11;
	s12 =	sadd.s32 s3, s12  }
0x47: {  	[tilespmem:s9], [sflag:$0x2] =	stream.linear.gather [hbm4b:s12+s13], $0x80, $0x38;
	[tilespmem:$0x8100] =	vst v63  }
.LBB2_11:
0x48: {  	s2 =	simm.s32 $0x3  }
0x49: {  	_ =	swait.ge [sflag:s2], $0x4000  }
0x4a: {  	[sflag:s2] =	ssyncset.done $0x0  }
0x4b: {  	[sflag:s2] =	ssyncadd.s32 $0xFFFFC000  }
0x4c: {  	_ =	sfence.sel $0x180000  }
0x4d: {  	s3 =	simm.s32 $0x2;
	[bflag:$0x0] =	sbarrier.arrive $0xFFFF  }
0x4e: {  	[sflag:s3] =	ssyncpa.u1 $0x1  }
0x4f: {  	s31 =	simm.s32 $0x1;
	[sflag:s2] =	ssyncpa.u1 $0x1  }
0x50: {  	[sflag:s31] =	ssyncpa.u1 $0x1  }
0x51: {  	p0 =	sne.s32 s1, $0x0;
	_ =	strace $0x9000004A  }
0x52: {  	s0 =	sadd.s32 @!p0 $0x100000, s0;
	[bflag:$0x2] =	sbarrier.arrive $0xFFFF  }
0x53: {  	[sflag:s0] =	ssyncadd.tile.s32 @!p0 $0x1;
	_ =	shalt  }
.Lfunc_end2:
_tile_overlayer_lowered:
.L_overlay_start_2:
0x54: {  	(tag) =	ssettag $0x2  }
0x55: {  	s0 =	rddreg [dreg:$0x0];
	s2 =	stileid.u32  }
0x56: {  	s1 =	rddreg [dreg:$0x1];
	p0 =	sne.s32 s2, $0x0  }
0x57: {  	s3 =	rddreg [dreg:$0x2];
	[bflag:$0x3] =	sbarrier.arrive $0xFFFF;
	s2 =	simm.s32 @!p0 $0x1C01  }
0x58: {  	[timem:s3], [sflag:s2] =	dma.local @!p0 [hbm:s0], s1  }
0x59: {  	s0 =	simm.s32 @!p0 $0x1  }
0x5a: {  	_ =	swait.ge @!p0 [sflag:s0], s1  }
0x5b: {  	s1 =	ssub.s32 @!p0 $0x0, s1;
	[sflag:s0] =	ssyncset.done @!p0 $0x0  }
0x5c: {  	[sflag:s0] =	ssyncadd.s32 @!p0 s1  }
0x5d: {  	[bflag:$0x3] =	sbarrier.arrive $0xFFFF  }
0x5e: {  	_ =	shalt  }

// kernel: kernel.6.cloned.1.call-start
scs
__scs_entry_jumppad:
0x0: {  	(pc) =	sbr.rel $0x88, $3  }
0x1: {  	(tag) =	ssettag $0x0;
	lr =	simm.s32 $0x1  }
0x2: {  	[smem:$0x3F8A] =	sst lr;
	_ =	strace $0xD0000000  }
0x3: {  	_ = 	snop  }
0x4: {  	_ = 	snop  }
0x5: {  	_ = 	snop  }
0x6: {  	_ = 	snop  }
0x7: {  	_ = 	snop  }
__scs_overlays_trampoline_lowered:
0x8: {  	[smem:$0x3F99] =	sst s0  }
0x9: {  	[smem:$0x3F9A] =	sst s1  }
0xa: {  	[smem:$0x3F9B] =	sst s2  }
0xb: {  	[smem:$0x3F9C] =	sst s3  }
0xc: {  	[smem:$0x3F9D] =	sst s4  }
0xd: {  	[smem:$0x3F9E] =	sst s5  }
0xe: {  	[smem:$0x3F9F] =	sst s6  }
0xf: {  	[smem:$0x3FA0] =	sst s7  }
0x10: {  	[smem:$0x3FA1] =	sst s8  }
0x11: {  	[smem:$0x3FA2] =	sst s9;
	s0 =	simm.s32 @!p0 $0x0  }
0x12: {  	s1 =	sld [smem:$0x3F88];
	s0 =	simm.s32 @p0 $0x1  }
0x13: {  	[smem:$0x3FA3] =	sst s0;
	s0 =	simm.s32 @!p1 $0x0  }
0x14: {  	s2 =	sld [smem:$0x3F87];
	s0 =	simm.s32 @p1 $0x1  }
0x15: {  	[smem:$0x3FA4] =	sst s0;
	s0 =	simm.s32 @!p2 $0x0  }
0x16: {  	s3 =	sld [smem:$0x3FDB];
	s0 =	simm.s32 @p2 $0x1  }
0x17: {  	s4 =	simm.s32 $0x1BF5;
	[smem:$0x3FA6] =	sst s0  }
0x18: {  	s0 =	sld [smem:$0x3F89];
	_ =	swait.ge [sflag:s4], $0x0  }
0x19: {  	s7 =	sld [smem:$0x3F8A]  }
0x1a: {  	s8 =	sadd.s32 $0xFFFFE003, lr  }
0x1b: {  	s9 =	sadd.s32 $0xFFFFFEF7, lr;
	s5 =	simm.s32 $0xFFFFFFFF;
	p2 =	slt.u32 s8, $0xFFFFF086  }
0x1c: {  	p1 =	slt.u32 s9, $0xF7A;
	s5 =	simm.s32 @!p2 $0x0  }
0x1d: {  	s5 =	simm.s32 @p1 $0x1;
	p0 =	seq.s32 s7, s2  }
0x1e: {  	s7 =	smul.u32 @!p0 $0xF7A, s2;
	p2 =	seq.s32 @!p0 s5, $0x0  }
0x1f: {  	s9 =	smul.u32 $0xF7A, s1;
	s8 =	simm.s32 @!p0 $0x1BF5;
	p2 =	por !p2, p0  }
0x20: {  	[sflag:s8] =	ssyncset.s32 @!p0 $0xFFFFF086;
	s6 =	sadd.s32 @!p0 s3, s7;
	s7 =	simm.s32 @!p0 $0x108  }
0x21: {  	s3 =	sadd.s32 s3, s9;
	s6 =	sadd.s32 @!p0 $0x88, s6;
	s7 =	simm.s32 @p2 $0x1082  }
0x22: {  	[simem:s7], [sflag:s8] =	dma.local @!p0 [hbm:s6], $0xF7A  }
0x23: {  	s9 =	sor.u32 $0xD0000000, s2;
	s6 =	simm.s32 $0x108;
	_ =	swait.ge @!p0 [sflag:s8], $0x0  }
0x24: {  	s3 =	sadd.s32 $0x88, s3;
	s6 =	simm.s32 @!p1 $0x1082;
	[sflag:s4] =	ssyncset.s32 $0xFFFFF086  }
0x25: {  	[simem:s6], [sflag:s4] =	dma.local [hbm:s3], $0xF7A  }
0x26: {  	[smem:$0x3F8A] =	sst s1;
	(tag) =	ssettag s2;
	_ =	strace s9  }
0x27: {  	s1 =	sld [smem:$0x3F9A]  }
0x28: {  	s2 =	sld [smem:$0x3F9B]  }
0x29: {  	s4 =	sld [smem:$0x3F9D]  }
0x2a: {  	p0 =	seq.s32 s5, $0x0;
	s5 =	sld [smem:$0x3F9E]  }
0x2b: {  	s6 =	sld [smem:$0x3F9F]  }
0x2c: {  	s7 =	sld [smem:$0x3FA0]  }
0x2d: {  	s3 =	simm.s32 $0x108;
	s8 =	sld [smem:$0x3FA1]  }
0x2e: {  	s3 =	simm.s32 @!p0 $0x1082;
	s9 =	sld [smem:$0x3FA2]  }
0x2f: {  	lr =	sadd.s32 s0, s3;
	s0 =	sld [smem:$0x3F99]  }
0x30: {  	s3 =	sld [smem:$0x3F9C]  }
0x31: {  	[smem:$0x3FA5] =	sst s10  }
0x32: {  	s10 =	sld [smem:$0x3FA3];
	_ =	sdelay $0x3  }
0x33: {  	p0 =	seq.s32 s10, $0x1;
	s10 =	sld [smem:$0x3FA5];
	_ =	sdelay $0x3  }
0x34: {  	[smem:$0x3FA5] =	sst s10  }
0x35: {  	s10 =	sld [smem:$0x3FA4];
	_ =	sdelay $0x3  }
0x36: {  	p1 =	seq.s32 s10, $0x1;
	s10 =	sld [smem:$0x3FA5];
	_ =	sdelay $0x3  }
0x37: {  	[smem:$0x3FA5] =	sst s10  }
0x38: {  	s10 =	sld [smem:$0x3FA6]  }
0x39: {  	_ = 	snop;
	(pc) =	sbr.ind lr, $3  }
0x3a: {  	_ = 	snop  }
0x3b: {  	_ = 	snop  }
0x3c: {  	p2 =	seq.s32 s10, $0x1;
	s10 =	sld [smem:$0x3FA5]  }
0x3d: {  	_ =	shalt  }
0x3e: {  	_ =	shalt  }
0x3f: {  	_ =	shalt  }
0x40: {  	_ =	shalt  }
0x41: {  	_ =	shalt  }
0x42: {  	_ =	shalt  }
0x43: {  	_ =	shalt  }
0x44: {  	_ =	shalt  }
0x45: {  	_ =	shalt  }
0x46: {  	_ =	shalt  }
0x47: {  	_ =	shalt  }
0x48: {  	_ =	shalt  }
0x49: {  	_ =	shalt  }
0x4a: {  	_ =	shalt  }
0x4b: {  	_ =	shalt  }
0x4c: {  	_ =	shalt  }
0x4d: {  	_ =	shalt  }
0x4e: {  	_ =	shalt  }
0x4f: {  	_ =	shalt  }
0x50: {  	_ =	shalt  }
0x51: {  	_ =	shalt  }
0x52: {  	_ =	shalt  }
0x53: {  	_ =	shalt  }
0x54: {  	_ =	shalt  }
0x55: {  	_ =	shalt  }
0x56: {  	_ =	shalt  }
0x57: {  	_ =	shalt  }
0x58: {  	_ =	shalt  }
0x59: {  	_ =	shalt  }
0x5a: {  	_ =	shalt  }
0x5b: {  	_ =	shalt  }
0x5c: {  	_ =	shalt  }
0x5d: {  	_ =	shalt  }
0x5e: {  	_ =	shalt  }
0x5f: {  	_ =	shalt  }
0x60: {  	_ =	shalt  }
0x61: {  	_ =	shalt  }
0x62: {  	_ =	shalt  }
0x63: {  	_ =	shalt  }
0x64: {  	_ =	shalt  }
0x65: {  	_ =	shalt  }
0x66: {  	_ =	shalt  }
0x67: {  	_ =	shalt  }
0x68: {  	_ =	shalt  }
0x69: {  	_ =	shalt  }
0x6a: {  	_ =	shalt  }
0x6b: {  	_ =	shalt  }
0x6c: {  	_ =	shalt  }
0x6d: {  	_ =	shalt  }
0x6e: {  	_ =	shalt  }
0x6f: {  	_ =	shalt  }
0x70: {  	_ =	shalt  }
0x71: {  	_ =	shalt  }
0x72: {  	_ =	shalt  }
0x73: {  	_ =	shalt  }
0x74: {  	_ =	shalt  }
0x75: {  	_ =	shalt  }
0x76: {  	_ =	shalt  }
0x77: {  	_ =	shalt  }
0x78: {  	_ =	shalt  }
0x79: {  	_ =	shalt  }
0x7a: {  	_ =	shalt  }
0x7b: {  	_ =	shalt  }
0x7c: {  	_ =	shalt  }
0x7d: {  	_ =	shalt  }
0x7e: {  	_ =	shalt  }
0x7f: {  	_ =	shalt  }
0x80: {  	_ =	shalt  }
0x81: {  	_ =	shalt  }
0x82: {  	_ =	shalt  }
0x83: {  	_ =	shalt  }
0x84: {  	_ =	shalt  }
0x85: {  	_ =	shalt  }
0x86: {  	_ =	shalt  }
0x87: {  	_ =	shalt  }
.Lfunc_end0:
.L_simem_size_0:
called_computation.2_lowered:
.L_overlay_start_0:
0x88: {  	s2 =	sld [smem:$0x3FD9]  }
0x89: {  	s3 =	sld [smem:$0x3FFE];
	_ =	sdelay $0x1  }
0x8a: {  	s1 =	srdreg.scid  }
0x8b: {  	s0 =	sand.u32 $0x1, s1  }
0x8c: {  	s14 =	sshll.u32 s0, $0xA;
	s2 =	sadd.s32 s3, s2  }
0x8d: {  	s2 =	sadd.s32 s2, s14  }
0x8e: {  	[smem:$0x3FB1] =	sst s2  }
0x8f: {  	_ = 	snop  }
0x90: {  	s2 =	sld [smem:$0x3FD0];
	_ =	sdelay $0x2  }
0x91: {  	s4 =	simm.s32 $0xB;
	s5 =	simm.s32 $0x10;
	s15 =	sld [smem:$0x3FC9]  }
0x92: {  	[smem:s5], [sflag:s4] =	dma.local [hbm:s2], $0x1  }
0x93: {  	_ =	swait.eq [sflag:s4], $0x1  }
0x94: {  	[sflag:s4] =	ssyncset.done $0x0  }
0x95: {  	s16 =	sld [smem:$0x10];
	[sflag:s4] =	ssyncadd.s32 $0xFFFFFFFF  }
0x96: {  	s17 =	sld [smem:$0x11];
	(tm) =	ssettm $0x1  }
0x97: {  	s18 =	sld [smem:$0x3FFB];
	_ =	sdelay $0x3  }
0x98: {  	_ =	strace s18  }
0x99: {  	s5 =	sld [smem:$0x3FFC];
	_ =	sdelay $0x3  }
0x9a: {  	_ =	strace s5  }
0x9b: {  	s5 =	sld [smem:$0x3FFD];
	_ =	sdelay $0x3  }
0x9c: {  	_ =	strace s5  }
0x9d: {  	_ =	strace $0x8FFFFFFF  }
0x9e: {  	s19 =	sld [smem:$0x3FDB];
	_ =	sdelay $0x1  }
0x9f: {  	s6 =	simm.s32 $_scs_section_size  }
0xa0: {  	s7 =	simm.s32 $_size__tile_overlayer_lowered;
	s8 =	simm.s32 $_tile_overlayer_lowered  }
0xa1: {  	s22 =	simm.s32 $0x1BFF;
	s21 =	sshll.u32 s8, $0x1;
	s5 =	sadd.s32 s6, s19  }
0xa2: {  	s9 =	simm.s32 $0x0;
	s20 =	sshll.u32 s7, $0x1;
	s7 =	sadd.s32 s21, s5  }
0xa3: {  	[timem:s9], [sflag:s22] =	dma.local [hbm:s7], s20  }
0xa4: {  	_ =	swait.ge [sflag:s22], s20  }
0xa5: {  	s6 =	ssub.s32 $0x0, s20;
	[sflag:s22] =	ssyncset.done $0x0  }
0xa6: {  	[sflag:s22] =	ssyncadd.s32 s6;
	_ =	sdelay $0x1  }
0xa7: {  	s23 =	simm.s32 $0x1B8B  }
0xa8: {  	_ =	swait.ge [sflag:s23], $0x1  }
0xa9: {  	[sflag:s23] =	ssyncset.done $0x0  }
0xaa: {  	s25 =	simm.s32 $0x1B8E;
	s24 =	sld [smem:$0x3FFE];
	[sflag:s23] =	ssyncadd.s32 $0xFFFFFFFF  }
0xab: {  	s26 =	simm.s32 $execute0_lowered;
	[smem:$0x3FD2] =	sst s25  }
0xac: {  	s7 =	sshll.u32 s26, $0x1;
	_ =	strace $0x80000046;
	[dreg:$0x1] =	wrdreg $0xFFFFFFFF  }
0xad: {  	s28 =	simm.s32 $_size_execute0_lowered;
	s5 =	sadd.s32 s5, s7;
	[dreg:$0x0] =	wrdreg $0x0  }
0xae: {  	s7 =	sshll.u32 s28, $0x1;
	[dreg:$0x2] =	wrdreg s5  }
0xaf: {  	[dreg:$0x3] =	wrdreg s7  }
0xb0: {  	[dreg:$0x4] =	wrdreg $0xC0  }
0xb1: {  	_ =	task [dreg:s9], $0x5FFFF  }
0xb2: {  	[dreg:$0x1] =	wrdreg $0xFFFFFFFF  }
0xb3: {  	[dreg:$0x0] =	wrdreg $0x60  }
0xb4: {  	[dreg:$0x2] =	wrdreg s15  }
0xb5: {  	[dreg:$0x3] =	wrdreg s16  }
0xb6: {  	[dreg:$0x4] =	wrdreg s17  }
0xb7: {  	[dreg:$0x5] =	wrdreg s24  }
0xb8: {  	[dreg:$0x6] =	wrdreg $0x9  }
0xb9: {  	_ =	task.clear_ibuf [dreg:s9], $0x7FFFF;
	_ =	strace $0x90000046  }
0xba: {  	s29 =	simm.s32 $0x9;
	_ =	strace $0x80000048  }
0xbb: {  	_ =	swait.ge [sflag:s29], $0x1  }
0xbc: {  	[sflag:s29] =	ssyncadd.s32 $0xFFFFFFFF  }
0xbd: {  	_ =	strace $0x90000048  }
0xbe: {  	_ =	sfence  }
0xbf: {  	s30 =	sld [smem:$0x0];
	_ =	sdelay $0x2  }
0xc0: {  	s31 =	sshll.u32 s1, $0xD;
	s1 =	sshrl.u32 s1, $0x2  }
0xc1: {  	s3 =	sand.u32 $0x4000, s31;
	s1 =	sadd.s32 s1, s30  }
0xc2: {  	s0 =	sor.u32 s3, s0;
	s1 =	sshll.u32 s1, $0x11  }
0xc3: {  	s0 =	sor.u32 s1, s0  }
0xc4: {  	s0 =	sadd.s32 $0x8F2B, s0  }
0xc5: {  	[sflag:s0] =	ssyncadd.remote.s32 $0x1  }
0xc6: {  	_ =	sfence.sel $0xFFFF  }
0xc7: {  	[dreg:$0x0] =	wrdreg $0xFFFFFFFF;
	(pc) =	sbr.abs _section_cstart, $3  }
0xc8: {  	[dreg:$0x1] =	wrdreg $0xFFFFFFFF  }
0xc9: {  	_ =	task.clear_ibuf [dreg:s9], $0x2FFFF;
	_ =	strace $0x9FFFFFFF  }
0xca: {  	(tm) =	ssettm $0x7FFFFFFF  }
0xcb: {  	_ =	shalt  }
tec
execute0_lowered:
.L_overlay_start_1:
0x0: {  	(tag) =	ssettag $0x1  }
0x1: {  	s0 =	rddreg [dreg:$0x0]  }
0x2: {  	s1 =	rddreg [dreg:$0x1]  }
0x3: {  	s7 =	rddreg [dreg:$0x2]  }
0x4: {  	s6 =	rddreg [dreg:$0x3]  }
0x5: {  	s2 =	srdreg.scid;
	s3 =	stileid.u32  }
0x6: {  	s30 =	simm.s32 $0x2900;
	s31 =	simm.s32 $0x3100;
	s28 =	simm.s32 $0x5100  }
0x7: {  	s29 =	simm.s32 $0x5900;
	s4 =	sand.u32 $0x1, s2;
	s2 =	simm.s32 $0x0  }
0x8: {  	s3 =	sshll.u32 s3, $0x8;
	s5 =	sshll.u32 s4, $0x7;
	[smem:$0x7FF] =	sst s2  }
0x9: {  	s4 =	ssub.s32 $0x2, s4;
	s5 =	sor.u32 s5, s3;
	_ =	strace $0x80000047  }
0xa: {  	s3 =	sadd.s32 $0xE00, s6;
	s10 =	sshrl.u32 s4, $0x1;
	s8 =	sshll.u32 s5, $0x7  }
0xb: {  	s9 =	sshrl.u32 s5, $0x3;
	s14 =	sor.u32 $0x20, s5;
	s10 =	ssub.s32 s4, s10  }
0xc: {  	s4 =	sadd.s32 $0xF00, s6;
	s11 =	sor.u32 $0x40, s5;
	s8 =	sadd.s32 s0, s8  }
0xd: {  	s5 =	sor.u32 $0x60, s5;
	s12 =	sadd.s32 s1, s9;
	[dreg:$0x5] =	wrdreg s8  }
0xe: {  	s13 =	sadd.s32 s7, s9;
	s15 =	sshll.u32 s14, $0x7;
	[dreg:$0x6] =	wrdreg s12  }
0xf: {  	s9 =	sshrl.u32 s14, $0x3;
	[dreg:$0x7] =	wrdreg s13;
	s8 =	sadd.s32 s0, s15  }
0x10: {  	s18 =	sshll.u32 s11, $0x7;
	s16 =	sadd.s32 s1, s9;
	[dreg:$0x8] =	wrdreg s8  }
0x11: {  	s20 =	sshrl.u32 s11, $0x3;
	s17 =	sadd.s32 s7, s9;
	[dreg:$0x9] =	wrdreg s16  }
0x12: {  	s23 =	sshll.u32 s5, $0x7;
	s19 =	sadd.s32 s0, s18;
	[dreg:$0xa] =	wrdreg s17  }
0x13: {  	s24 =	sshrl.u32 s5, $0x3;
	s21 =	sadd.s32 s1, s20;
	[dreg:$0xb] =	wrdreg s19  }
0x14: {  	s5 =	sadd.s32 $0x1000, s6;
	s22 =	sadd.s32 s7, s20;
	[dreg:$0xc] =	wrdreg s21  }
0x15: {  	s6 =	sadd.s32 $0x1100, s6;
	s0 =	sadd.s32 s0, s23;
	[dreg:$0xd] =	wrdreg s22  }
0x16: {  	s25 =	sadd.s32 s1, s24;
	s26 =	sadd.s32 s7, s24;
	[dreg:$0xe] =	wrdreg s0  }
0x17: {  	v2 =	vlaneseq.u32;
	s24 =	smax.u32 s10, $0x1;
	s9 =	simm.s32 $0x2;
	[dreg:$0xf] =	wrdreg s25  }
0x18: {  	vm0 =	vmmov $0xffff;
	v1 =	vshrl.u32 v2, $0x3;
	s23 =	simm.s32 $0x8200;
	[dreg:$0x10] =	wrdreg s26;
	s19 =	simm.s32 $0x1  }
0x19: {  	v0 =	vand.u32 $0x7, v2;
	v2 =	vor.u32 $0x8, v2;
	v1 =	vmul.u32 $0x8, v1;
	s26 =	simm.s32 $0x100;
	s25 =	simm.s32 $0x2100;
	s21 =	simm.s32 $0xFA00  }
.LBB2_1:
0x1a: {  	s20 =	rddreg [dreg:$0x5]  }
0x1b: {  	[tilespmem:s26], [sflag:$0x2] =	stream.linear.gather [hbm4b:s20+s2], $0x8000, $0x38;
	[tilespmem:$0x10200] =	vst v63  }
0x1c: {  	_ =	swait.ge [sflag:s9], $0x8000  }
0x1d: {  	[sflag:s9] =	ssyncset.done $0x0  }
0x1e: {  	s17 =	rddreg [dreg:$0x6];
	[sflag:s9] =	ssyncadd.s32 $0xFFFF8000  }
0x1f: {  	[tilespmem:s2], [sflag:$0x2] =	stream.linear.gather [hbm4b:s17+s2], $0x20, $0x38;
	[tilespmem:$0x10200] =	vst v63  }
0x20: {  	_ =	swait.ge [sflag:s9], $0x20  }
0x21: {  	[sflag:s9] =	ssyncset.done $0x0  }
0x22: {  	s0 =	simm.s32 $0x80;
	s18 =	rddreg [dreg:$0x7];
	[sflag:s9] =	ssyncadd.s32 $0xFFFFFFE0  }
0x23: {  	[tilespmem:s0], [sflag:$0x2] =	stream.linear.gather [hbm4b:s18+s2], $0x20, $0x38;
	[tilespmem:$0x10200] =	vst v63  }
0x24: {  	_ =	swait.ge [sflag:s9], $0x20  }
0x25: {  	[sflag:s9] =	ssyncset.done $0x0  }
0x26: {  	[sflag:s9] =	ssyncadd.s32 $0xFFFFFFE0  }
0x27: {  	v3 =	vld [tilespmem:$0x0];
	_ =	sdelay $0x4  }
0x28: {  	v4 =	vshll.u32 v3, $0x3  }
0x29: {  	v3 =	vand.u32 $0x7, v3;
	v4 =	vand.u32 $0xFFFFFFC0, v4  }
0x2a: {  	v3 =	vor.u32 v3, v4  }
0x2b: {  	v4 =	vperm.xlane v3, v0;
	_ =	sdelay $0x1  }
0x2c: {  	v4 =	vadd.s32 v1, v4;
	_ =	sdelay $0x4  }
0x2d: {  	[hbm4b:s3+s2] =	stream.indirect_vreg.scatter [tilespmem:s26], [sflag:$0x1], $0x80, v4, vm0, $0xb8;
	[tilespmem:$0x10200] =	vst v63  }
0x2e: {  	s22 =	simm.s32 $0x900;
	v3 =	vperm.xlane v3, v2  }
0x2f: {  	[hbm4b:s4+s2] =	stream.indirect_vreg.scatter [tilespmem:s22], [sflag:$0x1], $0x80, v4, vm0, $0xb8;
	[tilespmem:$0x10200] =	vst v63  }
0x30: {  	s1 =	simm.s32 $0x1100;
	v3 =	vadd.s32 v1, v3  }
0x31: {  	[hbm4b:s5+s2] =	stream.indirect_vreg.scatter [tilespmem:s1], [sflag:$0x1], $0x80, v4, vm0, $0xb8;
	[tilespmem:$0x10200] =	vst v63  }
0x32: {  	s7 =	simm.s32 $0x1900  }
0x33: {  	[hbm4b:s6+s2] =	stream.indirect_vreg.scatter [tilespmem:s7], [sflag:$0x1], $0x80, v4, vm0, $0xb8;
	[tilespmem:$0x10200] =	vst v63  }
0x34: {  	_ = 	snop  }
0x35: {  	[hbm4b:s3+s2] =	stream.indirect_vreg.scatter [tilespmem:s25], [sflag:$0x1], $0x80, v3, vm0, $0xb8;
	[tilespmem:$0x10200] =	vst v63  }
0x36: {  	_ = 	snop  }
0x37: {  	[hbm4b:s4+s2] =	stream.indirect_vreg.scatter [tilespmem:s30], [sflag:$0x1], $0x80, v3, vm0, $0xb8;
	[tilespmem:$0x10200] =	vst v63  }
0x38: {  	_ = 	snop  }
0x39: {  	[hbm4b:s5+s2] =	stream.indirect_vreg.scatter [tilespmem:s31], [sflag:$0x1], $0x80, v3, vm0, $0xb8;
	[tilespmem:$0x10200] =	vst v63  }
0x3a: {  	s8 =	simm.s32 $0x3900  }
0x3b: {  	[hbm4b:s6+s2] =	stream.indirect_vreg.scatter [tilespmem:s8], [sflag:$0x1], $0x80, v3, vm0, $0xb8;
	[tilespmem:$0x10200] =	vst v63  }
0x3c: {  	v3 =	vld [tilespmem:$0x10];
	_ =	sdelay $0x4  }
0x3d: {  	v49 =	vshll.u32 v3, $0x3  }
0x3e: {  	v3 =	vand.u32 $0x7, v3;
	v4 =	vand.u32 $0xFFFFFFC0, v49  }
0x3f: {  	v3 =	vor.u32 v3, v4  }
0x40: {  	v4 =	vperm.xlane v3, v0;
	_ =	sdelay $0x1  }
0x41: {  	v4 =	vadd.s32 v1, v4;
	_ =	sdelay $0x3  }
0x42: {  	s11 =	simm.s32 $0x4100  }
0x43: {  	[hbm4b:s3+s2] =	stream.indirect_vreg.scatter [tilespmem:s11], [sflag:$0x1], $0x80, v4, vm0, $0xb8;
	[tilespmem:$0x10200] =	vst v63  }
0x44: {  	s12 =	simm.s32 $0x4900;
	v3 =	vperm.xlane v3, v2  }
0x45: {  	[hbm4b:s4+s2] =	stream.indirect_vreg.scatter [tilespmem:s12], [sflag:$0x1], $0x80, v4, vm0, $0xb8;
	[tilespmem:$0x10200] =	vst v63  }
0x46: {  	v3 =	vadd.s32 v1, v3  }
0x47: {  	[hbm4b:s5+s2] =	stream.indirect_vreg.scatter [tilespmem:s28], [sflag:$0x1], $0x80, v4, vm0, $0xb8;
	[tilespmem:$0x10200] =	vst v63  }
0x48: {  	_ = 	snop  }
0x49: {  	[hbm4b:s6+s2] =	stream.indirect_vreg.scatter [tilespmem:s29], [sflag:$0x1], $0x80, v4, vm0, $0xb8;
	[tilespmem:$0x10200] =	vst v63  }
0x4a: {  	s16 =	simm.s32 $0x6100  }
0x4b: {  	[hbm4b:s3+s2] =	stream.indirect_vreg.scatter [tilespmem:s16], [sflag:$0x1], $0x80, v3, vm0, $0xb8;
	[tilespmem:$0x10200] =	vst v63  }
0x4c: {  	s17 =	simm.s32 $0x6900  }
0x4d: {  	[hbm4b:s4+s2] =	stream.indirect_vreg.scatter [tilespmem:s17], [sflag:$0x1], $0x80, v3, vm0, $0xb8;
	[tilespmem:$0x10200] =	vst v63  }
0x4e: {  	s18 =	simm.s32 $0x7100  }
0x4f: {  	[hbm4b:s5+s2] =	stream.indirect_vreg.scatter [tilespmem:s18], [sflag:$0x1], $0x80, v3, vm0, $0xb8;
	[tilespmem:$0x10200] =	vst v63  }
0x50: {  	s20 =	simm.s32 $0x7900  }
0x51: {  	[hbm4b:s6+s2] =	stream.indirect_vreg.scatter [tilespmem:s20], [sflag:$0x1], $0x80, v3, vm0, $0xb8;
	[tilespmem:$0x10200] =	vst v63  }
0x52: {  	v3 =	vld [tilespmem:$0x80];
	_ =	sdelay $0x4  }
0x53: {  	v50 =	vshll.u32 v3, $0x3  }
0x54: {  	v3 =	vand.u32 $0x7, v3;
	v4 =	vand.u32 $0xFFFFFFC0, v50  }
0x55: {  	v3 =	vor.u32 v3, v4  }
0x56: {  	v4 =	vperm.xlane v3, v0;
	_ =	sdelay $0x1  }
0x57: {  	v4 =	vadd.s32 v1, v4;
	_ =	sdelay $0x4  }
0x58: {  	[hbm4b:s3+s2] =	stream.indirect_vreg.scatter [tilespmem:s26], [sflag:$0x1], $0x80, v4, vm0, $0xb8;
	[tilespmem:$0x10200] =	vst v63  }
0x59: {  	s15 =	simm.s32 $0x900;
	v3 =	vperm.xlane v3, v2  }
0x5a: {  	[hbm4b:s4+s2] =	stream.indirect_vreg.scatter [tilespmem:s15], [sflag:$0x1], $0x80, v4, vm0, $0xb8;
	[tilespmem:$0x10200] =	vst v63  }
0x5b: {  	s10 =	simm.s32 $0x1100;
	v3 =	vadd.s32 v1, v3  }
0x5c: {  	[hbm4b:s5+s2] =	stream.indirect_vreg.scatter [tilespmem:s10], [sflag:$0x1], $0x80, v4, vm0, $0xb8;
	[tilespmem:$0x10200] =	vst v63  }
0x5d: {  	s14 =	simm.s32 $0x1900  }
0x5e: {  	[hbm4b:s6+s2] =	stream.indirect_vreg.scatter [tilespmem:s14], [sflag:$0x1], $0x80, v4, vm0, $0xb8;
	[tilespmem:$0x10200] =	vst v63  }
0x5f: {  	_ = 	snop  }
0x60: {  	[hbm4b:s3+s2] =	stream.indirect_vreg.scatter [tilespmem:s25], [sflag:$0x1], $0x80, v3, vm0, $0xb8;
	[tilespmem:$0x10200] =	vst v63  }
0x61: {  	_ = 	snop  }
0x62: {  	[hbm4b:s4+s2] =	stream.indirect_vreg.scatter [tilespmem:s30], [sflag:$0x1], $0x80, v3, vm0, $0xb8;
	[tilespmem:$0x10200] =	vst v63  }
0x63: {  	_ = 	snop  }
0x64: {  	[hbm4b:s5+s2] =	stream.indirect_vreg.scatter [tilespmem:s31], [sflag:$0x1], $0x80, v3, vm0, $0xb8;
	[tilespmem:$0x10200] =	vst v63  }
0x65: {  	s13 =	simm.s32 $0x3900  }
0x66: {  	[hbm4b:s6+s2] =	stream.indirect_vreg.scatter [tilespmem:s13], [sflag:$0x1], $0x80, v3, vm0, $0xb8;
	[tilespmem:$0x10200] =	vst v63  }
0x67: {  	v3 =	vld [tilespmem:$0x90];
	_ =	sdelay $0x4  }
0x68: {  	v51 =	vshll.u32 v3, $0x3  }
0x69: {  	v3 =	vand.u32 $0x7, v3;
	v4 =	vand.u32 $0xFFFFFFC0, v51  }
0x6a: {  	v3 =	vor.u32 v3, v4  }
0x6b: {  	v4 =	vperm.xlane v3, v0;
	_ =	sdelay $0x1  }
0x6c: {  	v4 =	vadd.s32 v1, v4;
	_ =	sdelay $0x3  }
0x6d: {  	s11 =	simm.s32 $0x4100  }
0x6e: {  	[hbm4b:s3+s2] =	stream.indirect_vreg.scatter [tilespmem:s11], [sflag:$0x1], $0x80, v4, vm0, $0xb8;
	[tilespmem:$0x10200] =	vst v63  }
0x6f: {  	s12 =	simm.s32 $0x4900;
	v3 =	vperm.xlane v3, v2  }
0x70: {  	[hbm4b:s4+s2] =	stream.indirect_vreg.scatter [tilespmem:s12], [sflag:$0x1], $0x80, v4, vm0, $0xb8;
	[tilespmem:$0x10200] =	vst v63  }
0x71: {  	v3 =	vadd.s32 v1, v3  }
0x72: {  	[hbm4b:s5+s2] =	stream.indirect_vreg.scatter [tilespmem:s28], [sflag:$0x1], $0x80, v4, vm0, $0xb8;
	[tilespmem:$0x10200] =	vst v63  }
0x73: {  	_ = 	snop  }
0x74: {  	[hbm4b:s6+s2] =	stream.indirect_vreg.scatter [tilespmem:s29], [sflag:$0x1], $0x80, v4, vm0, $0xb8;
	[tilespmem:$0x10200] =	vst v63  }
0x75: {  	s1 =	simm.s32 $0x6100  }
0x76: {  	[hbm4b:s3+s2] =	stream.indirect_vreg.scatter [tilespmem:s1], [sflag:$0x1], $0x80, v3, vm0, $0xb8;
	[tilespmem:$0x10200] =	vst v63  }
0x77: {  	s7 =	simm.s32 $0x6900  }
0x78: {  	[hbm4b:s4+s2] =	stream.indirect_vreg.scatter [tilespmem:s7], [sflag:$0x1], $0x80, v3, vm0, $0xb8;
	[tilespmem:$0x10200] =	vst v63  }
0x79: {  	s8 =	simm.s32 $0x7100  }
0x7a: {  	[hbm4b:s5+s2] =	stream.indirect_vreg.scatter [tilespmem:s8], [sflag:$0x1], $0x80, v3, vm0, $0xb8;
	[tilespmem:$0x10200] =	vst v63  }
0x7b: {  	s22 =	simm.s32 $0x7900  }
0x7c: {  	[hbm4b:s6+s2] =	stream.indirect_vreg.scatter [tilespmem:s22], [sflag:$0x1], $0x80, v3, vm0, $0xb8;
	[tilespmem:$0x10200] =	vst v63  }
0x7d: {  	s13 =	rddreg [dreg:$0x8]  }
0x7e: {  	[tilespmem:s23], [sflag:$0x2] =	stream.linear.gather [hbm4b:s13+s2], $0x8000, $0x38;
	[tilespmem:$0x10200] =	vst v63  }
0x7f: {  	_ =	swait.ge [sflag:s9], $0x8000  }
0x80: {  	[sflag:s9] =	ssyncset.done $0x0  }
0x81: {  	s15 =	simm.s32 $0x8100;
	s14 =	rddreg [dreg:$0x9];
	[sflag:s9] =	ssyncadd.s32 $0xFFFF8000  }
0x82: {  	[tilespmem:s15], [sflag:$0x2] =	stream.linear.gather [hbm4b:s14+s2], $0x20, $0x38;
	[tilespmem:$0x10200] =	vst v63  }
0x83: {  	_ =	swait.ge [sflag:s9], $0x20  }
0x84: {  	[sflag:s9] =	ssyncset.done $0x0  }
0x85: {  	s17 =	simm.s32 $0x8180;
	s16 =	rddreg [dreg:$0xa];
	[sflag:s9] =	ssyncadd.s32 $0xFFFFFFE0  }
0x86: {  	[tilespmem:s17], [sflag:$0x2] =	stream.linear.gather [hbm4b:s16+s2], $0x20, $0x38;
	[tilespmem:$0x10200] =	vst v63  }
0x87: {  	_ =	swait.ge [sflag:s9], $0x20  }
0x88: {  	[sflag:s9] =	ssyncset.done $0x0  }
0x89: {  	[sflag:s9] =	ssyncadd.s32 $0xFFFFFFE0  }
0x8a: {  	v3 =	vld [tilespmem:$0x8100];
	_ =	sdelay $0x4  }
0x8b: {  	v52 =	vshll.u32 v3, $0x3  }
0x8c: {  	v3 =	vand.u32 $0x7, v3;
	v4 =	vand.u32 $0xFFFFFFC0, v52  }
0x8d: {  	v3 =	vor.u32 v3, v4  }
0x8e: {  	v4 =	vperm.xlane v3, v0;
	_ =	sdelay $0x1  }
0x8f: {  	v4 =	vadd.s32 v1, v4;
	_ =	sdelay $0x4  }
0x90: {  	[hbm4b:s3+s2] =	stream.indirect_vreg.scatter [tilespmem:s23], [sflag:$0x1], $0x80, v4, vm0, $0xb8;
	[tilespmem:$0x10200] =	vst v63  }
0x91: {  	s18 =	simm.s32 $0x8A00;
	v3 =	vperm.xlane v3, v2  }
0x92: {  	[hbm4b:s4+s2] =	stream.indirect_vreg.scatter [tilespmem:s18], [sflag:$0x1], $0x80, v4, vm0, $0xb8;
	[tilespmem:$0x10200] =	vst v63  }
0x93: {  	s20 =	simm.s32 $0x9200;
	v3 =	vadd.s32 v1, v3  }
0x94: {  	[hbm4b:s5+s2] =	stream.indirect_vreg.scatter [tilespmem:s20], [sflag:$0x1], $0x80, v4, vm0, $0xb8;
	[tilespmem:$0x10200] =	vst v63  }
0x95: {  	s1 =	simm.s32 $0x9A00  }
0x96: {  	[hbm4b:s6+s2] =	stream.indirect_vreg.scatter [tilespmem:s1], [sflag:$0x1], $0x80, v4, vm0, $0xb8;
	[tilespmem:$0x10200] =	vst v63  }
0x97: {  	s7 =	simm.s32 $0xA200  }
0x98: {  	[hbm4b:s3+s2] =	stream.indirect_vreg.scatter [tilespmem:s7], [sflag:$0x1], $0x80, v3, vm0, $0xb8;
	[tilespmem:$0x10200] =	vst v63  }
0x99: {  	s8 =	simm.s32 $0xAA00  }
0x9a: {  	[hbm4b:s4+s2] =	stream.indirect_vreg.scatter [tilespmem:s8], [sflag:$0x1], $0x80, v3, vm0, $0xb8;
	[tilespmem:$0x10200] =	vst v63  }
0x9b: {  	s10 =	simm.s32 $0xB200  }
0x9c: {  	[hbm4b:s5+s2] =	stream.indirect_vreg.scatter [tilespmem:s10], [sflag:$0x1], $0x80, v3, vm0, $0xb8;
	[tilespmem:$0x10200] =	vst v63  }
0x9d: {  	s12 =	simm.s32 $0xBA00  }
0x9e: {  	[hbm4b:s6+s2] =	stream.indirect_vreg.scatter [tilespmem:s12], [sflag:$0x1], $0x80, v3, vm0, $0xb8;
	[tilespmem:$0x10200] =	vst v63  }
0x9f: {  	v3 =	vld [tilespmem:$0x8110];
	_ =	sdelay $0x4  }
0xa0: {  	v53 =	vshll.u32 v3, $0x3  }
0xa1: {  	v3 =	vand.u32 $0x7, v3;
	v4 =	vand.u32 $0xFFFFFFC0, v53  }
0xa2: {  	v3 =	vor.u32 v3, v4  }
0xa3: {  	v4 =	vperm.xlane v3, v0;
	_ =	sdelay $0x1  }
0xa4: {  	v4 =	vadd.s32 v1, v4;
	_ =	sdelay $0x3  }
0xa5: {  	s14 =	simm.s32 $0xC200  }
0xa6: {  	[hbm4b:s3+s2] =	stream.indirect_vreg.scatter [tilespmem:s14], [sflag:$0x1], $0x80, v4, vm0, $0xb8;
	[tilespmem:$0x10200] =	vst v63  }
0xa7: {  	s17 =	simm.s32 $0xCA00;
	v3 =	vperm.xlane v3, v2  }
0xa8: {  	[hbm4b:s4+s2] =	stream.indirect_vreg.scatter [tilespmem:s17], [sflag:$0x1], $0x80, v4, vm0, $0xb8;
	[tilespmem:$0x10200] =	vst v63  }
0xa9: {  	s0 =	simm.s32 $0xD200;
	v3 =	vadd.s32 v1, v3  }
0xaa: {  	[hbm4b:s5+s2] =	stream.indirect_vreg.scatter [tilespmem:s0], [sflag:$0x1], $0x80, v4, vm0, $0xb8;
	[tilespmem:$0x10200] =	vst v63  }
0xab: {  	s1 =	simm.s32 $0xDA00  }
0xac: {  	[hbm4b:s6+s2] =	stream.indirect_vreg.scatter [tilespmem:s1], [sflag:$0x1], $0x80, v4, vm0, $0xb8;
	[tilespmem:$0x10200] =	vst v63  }
0xad: {  	s7 =	simm.s32 $0xE200  }
0xae: {  	[hbm4b:s3+s2] =	stream.indirect_vreg.scatter [tilespmem:s7], [sflag:$0x1], $0x80, v3, vm0, $0xb8;
	[tilespmem:$0x10200] =	vst v63  }
0xaf: {  	s8 =	simm.s32 $0xEA00  }
0xb0: {  	[hbm4b:s4+s2] =	stream.indirect_vreg.scatter [tilespmem:s8], [sflag:$0x1], $0x80, v3, vm0, $0xb8;
	[tilespmem:$0x10200] =	vst v63  }
0xb1: {  	s10 =	simm.s32 $0xF200  }
0xb2: {  	[hbm4b:s5+s2] =	stream.indirect_vreg.scatter [tilespmem:s10], [sflag:$0x1], $0x80, v3, vm0, $0xb8;
	[tilespmem:$0x10200] =	vst v63  }
0xb3: {  	s20 =	simm.s32 $0xFA00  }
0xb4: {  	[hbm4b:s6+s2] =	stream.indirect_vreg.scatter [tilespmem:s20], [sflag:$0x1], $0x80, v3, vm0, $0xb8;
	[tilespmem:$0x10200] =	vst v63  }
0xb5: {  	v3 =	vld [tilespmem:$0x8180];
	_ =	sdelay $0x4  }
0xb6: {  	v54 =	vshll.u32 v3, $0x3  }
0xb7: {  	v3 =	vand.u32 $0x7, v3;
	v4 =	vand.u32 $0xFFFFFFC0, v54  }
0xb8: {  	v3 =	vor.u32 v3, v4  }
0xb9: {  	v4 =	vperm.xlane v3, v0;
	_ =	sdelay $0x1  }
0xba: {  	v4 =	vadd.s32 v1, v4;
	_ =	sdelay $0x4  }
0xbb: {  	[hbm4b:s3+s2] =	stream.indirect_vreg.scatter [tilespmem:s23], [sflag:$0x1], $0x80, v4, vm0, $0xb8;
	[tilespmem:$0x10200] =	vst v63  }
0xbc: {  	s22 =	simm.s32 $0x8A00;
	v3 =	vperm.xlane v3, v2  }
0xbd: {  	[hbm4b:s4+s2] =	stream.indirect_vreg.scatter [tilespmem:s22], [sflag:$0x1], $0x80, v4, vm0, $0xb8;
	[tilespmem:$0x10200] =	vst v63  }
0xbe: {  	s16 =	simm.s32 $0x9200;
	v3 =	vadd.s32 v1, v3  }
0xbf: {  	[hbm4b:s5+s2] =	stream.indirect_vreg.scatter [tilespmem:s16], [sflag:$0x1], $0x80, v4, vm0, $0xb8;
	[tilespmem:$0x10200] =	vst v63  }
0xc0: {  	s11 =	simm.s32 $0x9A00  }
0xc1: {  	[hbm4b:s6+s2] =	stream.indirect_vreg.scatter [tilespmem:s11], [sflag:$0x1], $0x80, v4, vm0, $0xb8;
	[tilespmem:$0x10200] =	vst v63  }
0xc2: {  	s13 =	simm.s32 $0xA200  }
0xc3: {  	[hbm4b:s3+s2] =	stream.indirect_vreg.scatter [tilespmem:s13], [sflag:$0x1], $0x80, v3, vm0, $0xb8;
	[tilespmem:$0x10200] =	vst v63  }
0xc4: {  	s15 =	simm.s32 $0xAA00  }
0xc5: {  	[hbm4b:s4+s2] =	stream.indirect_vreg.scatter [tilespmem:s15], [sflag:$0x1], $0x80, v3, vm0, $0xb8;
	[tilespmem:$0x10200] =	vst v63  }
0xc6: {  	s18 =	simm.s32 $0xB200  }
0xc7: {  	[hbm4b:s5+s2] =	stream.indirect_vreg.scatter [tilespmem:s18], [sflag:$0x1], $0x80, v3, vm0, $0xb8;
	[tilespmem:$0x10200] =	vst v63  }
0xc8: {  	s12 =	simm.s32 $0xBA00  }
0xc9: {  	[hbm4b:s6+s2] =	stream.indirect_vreg.scatter [tilespmem:s12], [sflag:$0x1], $0x80, v3, vm0, $0xb8;
	[tilespmem:$0x10200] =	vst v63  }
0xca: {  	v3 =	vld [tilespmem:$0x8190];
	_ =	sdelay $0x4  }
0xcb: {  	v55 =	vshll.u32 v3, $0x3  }
0xcc: {  	v3 =	vand.u32 $0x7, v3;
	v4 =	vand.u32 $0xFFFFFFC0, v55  }
0xcd: {  	v3 =	vor.u32 v3, v4  }
0xce: {  	v4 =	vperm.xlane v3, v0;
	_ =	sdelay $0x1  }
0xcf: {  	v4 =	vadd.s32 v1, v4;
	_ =	sdelay $0x3  }
0xd0: {  	s14 =	simm.s32 $0xC200  }
0xd1: {  	[hbm4b:s3+s2] =	stream.indirect_vreg.scatter [tilespmem:s14], [sflag:$0x1], $0x80, v4, vm0, $0xb8;
	[tilespmem:$0x10200] =	vst v63  }
0xd2: {  	s17 =	simm.s32 $0xCA00;
	v3 =	vperm.xlane v3, v2  }
0xd3: {  	[hbm4b:s4+s2] =	stream.indirect_vreg.scatter [tilespmem:s17], [sflag:$0x1], $0x80, v4, vm0, $0xb8;
	[tilespmem:$0x10200] =	vst v63  }
0xd4: {  	s0 =	simm.s32 $0xD200;
	v3 =	vadd.s32 v1, v3  }
0xd5: {  	[hbm4b:s5+s2] =	stream.indirect_vreg.scatter [tilespmem:s0], [sflag:$0x1], $0x80, v4, vm0, $0xb8;
	[tilespmem:$0x10200] =	vst v63  }
0xd6: {  	s1 =	simm.s32 $0xDA00  }
0xd7: {  	[hbm4b:s6+s2] =	stream.indirect_vreg.scatter [tilespmem:s1], [sflag:$0x1], $0x80, v4, vm0, $0xb8;
	[tilespmem:$0x10200] =	vst v63  }
0xd8: {  	s7 =	simm.s32 $0xE200  }
0xd9: {  	[hbm4b:s3+s2] =	stream.indirect_vreg.scatter [tilespmem:s7], [sflag:$0x1], $0x80, v3, vm0, $0xb8;
	[tilespmem:$0x10200] =	vst v63  }
0xda: {  	s8 =	simm.s32 $0xEA00  }
0xdb: {  	[hbm4b:s4+s2] =	stream.indirect_vreg.scatter [tilespmem:s8], [sflag:$0x1], $0x80, v3, vm0, $0xb8;
	[tilespmem:$0x10200] =	vst v63  }
0xdc: {  	s10 =	simm.s32 $0xF200  }
0xdd: {  	[hbm4b:s5+s2] =	stream.indirect_vreg.scatter [tilespmem:s10], [sflag:$0x1], $0x80, v3, vm0, $0xb8;
	[tilespmem:$0x10200] =	vst v63  }
0xde: {  	_ = 	snop  }
0xdf: {  	[hbm4b:s6+s2] =	stream.indirect_vreg.scatter [tilespmem:s21], [sflag:$0x1], $0x80, v3, vm0, $0xb8;
	[tilespmem:$0x10200] =	vst v63  }
0xe0: {  	s8 =	rddreg [dreg:$0xb]  }
0xe1: {  	[tilespmem:s26], [sflag:$0x2] =	stream.linear.gather [hbm4b:s8+s2], $0x8000, $0x38;
	[tilespmem:$0x10200] =	vst v63  }
0xe2: {  	_ =	swait.ge [sflag:s9], $0x8000  }
0xe3: {  	[sflag:s9] =	ssyncset.done $0x0  }
0xe4: {  	s10 =	rddreg [dreg:$0xc];
	[sflag:s9] =	ssyncadd.s32 $0xFFFF8000  }
0xe5: {  	[tilespmem:s2], [sflag:$0x2] =	stream.linear.gather [hbm4b:s10+s2], $0x20, $0x38;
	[tilespmem:$0x10200] =	vst v63  }
0xe6: {  	_ =	swait.ge [sflag:s9], $0x20  }
0xe7: {  	[sflag:s9] =	ssyncset.done $0x0  }
0xe8: {  	s12 =	simm.s32 $0x80;
	s11 =	rddreg [dreg:$0xd];
	[sflag:s9] =	ssyncadd.s32 $0xFFFFFFE0  }
0xe9: {  	[tilespmem:s12], [sflag:$0x2] =	stream.linear.gather [hbm4b:s11+s2], $0x20, $0x38;
	[tilespmem:$0x10200] =	vst v63  }
0xea: {  	_ =	swait.ge [sflag:s9], $0x20  }
0xeb: {  	[sflag:s9] =	ssyncset.done $0x0  }
0xec: {  	[sflag:s9] =	ssyncadd.s32 $0xFFFFFFE0  }
0xed: {  	v3 =	vld [tilespmem:$0x0];
	_ =	sdelay $0x4  }
0xee: {  	v56 =	vshll.u32 v3, $0x3  }
0xef: {  	v3 =	vand.u32 $0x7, v3;
	v4 =	vand.u32 $0xFFFFFFC0, v56  }
0xf0: {  	v3 =	vor.u32 v3, v4  }
0xf1: {  	v4 =	vperm.xlane v3, v0;
	_ =	sdelay $0x1  }
0xf2: {  	v4 =	vadd.s32 v1, v4;
	_ =	sdelay $0x4  }
0xf3: {  	[hbm4b:s3+s2] =	stream.indirect_vreg.scatter [tilespmem:s26], [sflag:$0x1], $0x80, v4, vm0, $0xb8;
	[tilespmem:$0x10200] =	vst v63  }
0xf4: {  	s13 =	simm.s32 $0x900;
	v3 =	vperm.xlane v3, v2  }
0xf5: {  	[hbm4b:s4+s2] =	stream.indirect_vreg.scatter [tilespmem:s13], [sflag:$0x1], $0x80, v4, vm0, $0xb8;
	[tilespmem:$0x10200] =	vst v63  }
0xf6: {  	s14 =	simm.s32 $0x1100;
	v3 =	vadd.s32 v1, v3  }
0xf7: {  	[hbm4b:s5+s2] =	stream.indirect_vreg.scatter [tilespmem:s14], [sflag:$0x1], $0x80, v4, vm0, $0xb8;
	[tilespmem:$0x10200] =	vst v63  }
0xf8: {  	s0 =	simm.s32 $0x1900  }
0xf9: {  	[hbm4b:s6+s2] =	stream.indirect_vreg.scatter [tilespmem:s0], [sflag:$0x1], $0x80, v4, vm0, $0xb8;
	[tilespmem:$0x10200] =	vst v63  }
0xfa: {  	_ = 	snop  }
0xfb: {  	[hbm4b:s3+s2] =	stream.indirect_vreg.scatter [tilespmem:s25], [sflag:$0x1], $0x80, v3, vm0, $0xb8;
	[tilespmem:$0x10200] =	vst v63  }
0xfc: {  	_ = 	snop  }
0xfd: {  	[hbm4b:s4+s2] =	stream.indirect_vreg.scatter [tilespmem:s30], [sflag:$0x1], $0x80, v3, vm0, $0xb8;
	[tilespmem:$0x10200] =	vst v63  }
0xfe: {  	_ = 	snop  }
0xff: {  	[hbm4b:s5+s2] =	stream.indirect_vreg.scatter [tilespmem:s31], [sflag:$0x1], $0x80, v3, vm0, $0xb8;
	[tilespmem:$0x10200] =	vst v63  }
0x100: {  	s1 =	simm.s32 $0x3900  }
0x101: {  	[hbm4b:s6+s2] =	stream.indirect_vreg.scatter [tilespmem:s1], [sflag:$0x1], $0x80, v3, vm0, $0xb8;
	[tilespmem:$0x10200] =	vst v63  }
0x102: {  	v3 =	vld [tilespmem:$0x10];
	_ =	sdelay $0x4  }
0x103: {  	v57 =	vshll.u32 v3, $0x3  }
0x104: {  	v3 =	vand.u32 $0x7, v3;
	v4 =	vand.u32 $0xFFFFFFC0, v57  }
0x105: {  	v3 =	vor.u32 v3, v4  }
0x106: {  	v4 =	vperm.xlane v3, v0;
	_ =	sdelay $0x1  }
0x107: {  	v4 =	vadd.s32 v1, v4;
	_ =	sdelay $0x3  }
0x108: {  	s7 =	simm.s32 $0x4100  }
0x109: {  	[hbm4b:s3+s2] =	stream.indirect_vreg.scatter [tilespmem:s7], [sflag:$0x1], $0x80, v4, vm0, $0xb8;
	[tilespmem:$0x10200] =	vst v63  }
0x10a: {  	s8 =	simm.s32 $0x4900;
	v3 =	vperm.xlane v3, v2  }
0x10b: {  	[hbm4b:s4+s2] =	stream.indirect_vreg.scatter [tilespmem:s8], [sflag:$0x1], $0x80, v4, vm0, $0xb8;
	[tilespmem:$0x10200] =	vst v63  }
0x10c: {  	v3 =	vadd.s32 v1, v3  }
0x10d: {  	[hbm4b:s5+s2] =	stream.indirect_vreg.scatter [tilespmem:s28], [sflag:$0x1], $0x80, v4, vm0, $0xb8;
	[tilespmem:$0x10200] =	vst v63  }
0x10e: {  	_ = 	snop  }
0x10f: {  	[hbm4b:s6+s2] =	stream.indirect_vreg.scatter [tilespmem:s29], [sflag:$0x1], $0x80, v4, vm0, $0xb8;
	[tilespmem:$0x10200] =	vst v63  }
0x110: {  	s16 =	simm.s32 $0x6100  }
0x111: {  	[hbm4b:s3+s2] =	stream.indirect_vreg.scatter [tilespmem:s16], [sflag:$0x1], $0x80, v3, vm0, $0xb8;
	[tilespmem:$0x10200] =	vst v63  }
0x112: {  	s17 =	simm.s32 $0x6900  }
0x113: {  	[hbm4b:s4+s2] =	stream.indirect_vreg.scatter [tilespmem:s17], [sflag:$0x1], $0x80, v3, vm0, $0xb8;
	[tilespmem:$0x10200] =	vst v63  }
0x114: {  	s18 =	simm.s32 $0x7100  }
0x115: {  	[hbm4b:s5+s2] =	stream.indirect_vreg.scatter [tilespmem:s18], [sflag:$0x1], $0x80, v3, vm0, $0xb8;
	[tilespmem:$0x10200] =	vst v63  }
0x116: {  	s20 =	simm.s32 $0x7900  }
0x117: {  	[hbm4b:s6+s2] =	stream.indirect_vreg.scatter [tilespmem:s20], [sflag:$0x1], $0x80, v3, vm0, $0xb8;
	[tilespmem:$0x10200] =	vst v63  }
0x118: {  	v3 =	vld [tilespmem:$0x80];
	_ =	sdelay $0x4  }
0x119: {  	v58 =	vshll.u32 v3, $0x3  }
0x11a: {  	v3 =	vand.u32 $0x7, v3;
	v4 =	vand.u32 $0xFFFFFFC0, v58  }
0x11b: {  	v3 =	vor.u32 v3, v4  }
0x11c: {  	v4 =	vperm.xlane v3, v0;
	_ =	sdelay $0x1  }
0x11d: {  	v4 =	vadd.s32 v1, v4;
	_ =	sdelay $0x4  }
0x11e: {  	[hbm4b:s3+s2] =	stream.indirect_vreg.scatter [tilespmem:s26], [sflag:$0x1], $0x80, v4, vm0, $0xb8;
	[tilespmem:$0x10200] =	vst v63  }
0x11f: {  	v3 =	vperm.xlane v3, v2  }
0x120: {  	[hbm4b:s4+s2] =	stream.indirect_vreg.scatter [tilespmem:s13], [sflag:$0x1], $0x80, v4, vm0, $0xb8;
	[tilespmem:$0x10200] =	vst v63  }
0x121: {  	v3 =	vadd.s32 v1, v3  }
0x122: {  	[hbm4b:s5+s2] =	stream.indirect_vreg.scatter [tilespmem:s14], [sflag:$0x1], $0x80, v4, vm0, $0xb8;
	[tilespmem:$0x10200] =	vst v63  }
0x123: {  	_ = 	snop  }
0x124: {  	[hbm4b:s6+s2] =	stream.indirect_vreg.scatter [tilespmem:s0], [sflag:$0x1], $0x80, v4, vm0, $0xb8;
	[tilespmem:$0x10200] =	vst v63  }
0x125: {  	_ = 	snop  }
0x126: {  	[hbm4b:s3+s2] =	stream.indirect_vreg.scatter [tilespmem:s25], [sflag:$0x1], $0x80, v3, vm0, $0xb8;
	[tilespmem:$0x10200] =	vst v63  }
0x127: {  	_ = 	snop  }
0x128: {  	[hbm4b:s4+s2] =	stream.indirect_vreg.scatter [tilespmem:s30], [sflag:$0x1], $0x80, v3, vm0, $0xb8;
	[tilespmem:$0x10200] =	vst v63  }
0x129: {  	_ = 	snop  }
0x12a: {  	[hbm4b:s5+s2] =	stream.indirect_vreg.scatter [tilespmem:s31], [sflag:$0x1], $0x80, v3, vm0, $0xb8;
	[tilespmem:$0x10200] =	vst v63  }
0x12b: {  	_ = 	snop  }
0x12c: {  	[hbm4b:s6+s2] =	stream.indirect_vreg.scatter [tilespmem:s1], [sflag:$0x1], $0x80, v3, vm0, $0xb8;
	[tilespmem:$0x10200] =	vst v63  }
0x12d: {  	v3 =	vld [tilespmem:$0x90];
	_ =	sdelay $0x4  }
0x12e: {  	v59 =	vshll.u32 v3, $0x3  }
0x12f: {  	v3 =	vand.u32 $0x7, v3;
	v4 =	vand.u32 $0xFFFFFFC0, v59  }
0x130: {  	v3 =	vor.u32 v3, v4  }
0x131: {  	v4 =	vperm.xlane v3, v0;
	_ =	sdelay $0x1  }
0x132: {  	v4 =	vadd.s32 v1, v4;
	_ =	sdelay $0x4  }
0x133: {  	[hbm4b:s3+s2] =	stream.indirect_vreg.scatter [tilespmem:s7], [sflag:$0x1], $0x80, v4, vm0, $0xb8;
	[tilespmem:$0x10200] =	vst v63  }
0x134: {  	v3 =	vperm.xlane v3, v2  }
0x135: {  	[hbm4b:s4+s2] =	stream.indirect_vreg.scatter [tilespmem:s8], [sflag:$0x1], $0x80, v4, vm0, $0xb8;
	[tilespmem:$0x10200] =	vst v63  }
0x136: {  	v3 =	vadd.s32 v1, v3  }
0x137: {  	[hbm4b:s5+s2] =	stream.indirect_vreg.scatter [tilespmem:s28], [sflag:$0x1], $0x80, v4, vm0, $0xb8;
	[tilespmem:$0x10200] =	vst v63  }
0x138: {  	_ = 	snop  }
0x139: {  	[hbm4b:s6+s2] =	stream.indirect_vreg.scatter [tilespmem:s29], [sflag:$0x1], $0x80, v4, vm0, $0xb8;
	[tilespmem:$0x10200] =	vst v63  }
0x13a: {  	_ = 	snop  }
0x13b: {  	[hbm4b:s3+s2] =	stream.indirect_vreg.scatter [tilespmem:s16], [sflag:$0x1], $0x80, v3, vm0, $0xb8;
	[tilespmem:$0x10200] =	vst v63  }
0x13c: {  	_ = 	snop  }
0x13d: {  	[hbm4b:s4+s2] =	stream.indirect_vreg.scatter [tilespmem:s17], [sflag:$0x1], $0x80, v3, vm0, $0xb8;
	[tilespmem:$0x10200] =	vst v63  }
0x13e: {  	_ = 	snop  }
0x13f: {  	[hbm4b:s5+s2] =	stream.indirect_vreg.scatter [tilespmem:s18], [sflag:$0x1], $0x80, v3, vm0, $0xb8;
	[tilespmem:$0x10200] =	vst v63  }
0x140: {  	_ = 	snop  }
0x141: {  	[hbm4b:s6+s2] =	stream.indirect_vreg.scatter [tilespmem:s20], [sflag:$0x1], $0x80, v3, vm0, $0xb8;
	[tilespmem:$0x10200] =	vst v63  }
0x142: {  	s14 =	rddreg [dreg:$0xe]  }
0x143: {  	[tilespmem:s23], [sflag:$0x2] =	stream.linear.gather [hbm4b:s14+s2], $0x8000, $0x38;
	[tilespmem:$0x10200] =	vst v63  }
0x144: {  	_ =	swait.ge [sflag:s9], $0x8000  }
0x145: {  	[sflag:s9] =	ssyncset.done $0x0  }
0x146: {  	s16 =	simm.s32 $0x8100;
	s15 =	rddreg [dreg:$0xf];
	[sflag:s9] =	ssyncadd.s32 $0xFFFF8000  }
0x147: {  	[tilespmem:s16], [sflag:$0x2] =	stream.linear.gather [hbm4b:s15+s2], $0x20, $0x38;
	[tilespmem:$0x10200] =	vst v63  }
0x148: {  	_ =	swait.ge [sflag:s9], $0x20  }
0x149: {  	[sflag:s9] =	ssyncset.done $0x0  }
0x14a: {  	s18 =	simm.s32 $0x8180;
	s17 =	rddreg [dreg:$0x10];
	[sflag:s9] =	ssyncadd.s32 $0xFFFFFFE0  }
0x14b: {  	[tilespmem:s18], [sflag:$0x2] =	stream.linear.gather [hbm4b:s17+s2], $0x20, $0x38;
	[tilespmem:$0x10200] =	vst v63  }
0x14c: {  	_ =	swait.ge [sflag:s9], $0x20  }
0x14d: {  	[sflag:s9] =	ssyncset.done $0x0  }
0x14e: {  	[sflag:s9] =	ssyncadd.s32 $0xFFFFFFE0  }
0x14f: {  	v3 =	vld [tilespmem:$0x8100];
	_ =	sdelay $0x4  }
0x150: {  	v60 =	vshll.u32 v3, $0x3  }
0x151: {  	v3 =	vand.u32 $0x7, v3;
	v4 =	vand.u32 $0xFFFFFFC0, v60  }
0x152: {  	v3 =	vor.u32 v3, v4  }
0x153: {  	v4 =	vperm.xlane v3, v0;
	_ =	sdelay $0x1  }
0x154: {  	v4 =	vadd.s32 v1, v4;
	_ =	sdelay $0x4  }
0x155: {  	[hbm4b:s3+s2] =	stream.indirect_vreg.scatter [tilespmem:s23], [sflag:$0x1], $0x80, v4, vm0, $0xb8;
	[tilespmem:$0x10200] =	vst v63  }
0x156: {  	s22 =	simm.s32 $0x8A00;
	v3 =	vperm.xlane v3, v2  }
0x157: {  	[hbm4b:s4+s2] =	stream.indirect_vreg.scatter [tilespmem:s22], [sflag:$0x1], $0x80, v4, vm0, $0xb8;
	[tilespmem:$0x10200] =	vst v63  }
0x158: {  	s16 =	simm.s32 $0x9200;
	v3 =	vadd.s32 v1, v3  }
0x159: {  	[hbm4b:s5+s2] =	stream.indirect_vreg.scatter [tilespmem:s16], [sflag:$0x1], $0x80, v4, vm0, $0xb8;
	[tilespmem:$0x10200] =	vst v63  }
0x15a: {  	s11 =	simm.s32 $0x9A00  }
0x15b: {  	[hbm4b:s6+s2] =	stream.indirect_vreg.scatter [tilespmem:s11], [sflag:$0x1], $0x80, v4, vm0, $0xb8;
	[tilespmem:$0x10200] =	vst v63  }
0x15c: {  	s13 =	simm.s32 $0xA200  }
0x15d: {  	[hbm4b:s3+s2] =	stream.indirect_vreg.scatter [tilespmem:s13], [sflag:$0x1], $0x80, v3, vm0, $0xb8;
	[tilespmem:$0x10200] =	vst v63  }
0x15e: {  	s15 =	simm.s32 $0xAA00  }
0x15f: {  	[hbm4b:s4+s2] =	stream.indirect_vreg.scatter [tilespmem:s15], [sflag:$0x1], $0x80, v3, vm0, $0xb8;
	[tilespmem:$0x10200] =	vst v63  }
0x160: {  	s18 =	simm.s32 $0xB200  }
0x161: {  	[hbm4b:s5+s2] =	stream.indirect_vreg.scatter [tilespmem:s18], [sflag:$0x1], $0x80, v3, vm0, $0xb8;
	[tilespmem:$0x10200] =	vst v63  }
0x162: {  	s12 =	simm.s32 $0xBA00  }
0x163: {  	[hbm4b:s6+s2] =	stream.indirect_vreg.scatter [tilespmem:s12], [sflag:$0x1], $0x80, v3, vm0, $0xb8;
	[tilespmem:$0x10200] =	vst v63  }
0x164: {  	v3 =	vld [tilespmem:$0x8110];
	_ =	sdelay $0x4  }
0x165: {  	v61 =	vshll.u32 v3, $0x3  }
0x166: {  	v3 =	vand.u32 $0x7, v3;
	v4 =	vand.u32 $0xFFFFFFC0, v61  }
0x167: {  	v3 =	vor.u32 v3, v4  }
0x168: {  	v4 =	vperm.xlane v3, v0;
	_ =	sdelay $0x1  }
0x169: {  	v4 =	vadd.s32 v1, v4;
	_ =	sdelay $0x3  }
0x16a: {  	s14 =	simm.s32 $0xC200  }
0x16b: {  	[hbm4b:s3+s2] =	stream.indirect_vreg.scatter [tilespmem:s14], [sflag:$0x1], $0x80, v4, vm0, $0xb8;
	[tilespmem:$0x10200] =	vst v63  }
0x16c: {  	s17 =	simm.s32 $0xCA00;
	v3 =	vperm.xlane v3, v2  }
0x16d: {  	[hbm4b:s4+s2] =	stream.indirect_vreg.scatter [tilespmem:s17], [sflag:$0x1], $0x80, v4, vm0, $0xb8;
	[tilespmem:$0x10200] =	vst v63  }
0x16e: {  	s0 =	simm.s32 $0xD200;
	v3 =	vadd.s32 v1, v3  }
0x16f: {  	[hbm4b:s5+s2] =	stream.indirect_vreg.scatter [tilespmem:s0], [sflag:$0x1], $0x80, v4, vm0, $0xb8;
	[tilespmem:$0x10200] =	vst v63  }
0x170: {  	s1 =	simm.s32 $0xDA00  }
0x171: {  	[hbm4b:s6+s2] =	stream.indirect_vreg.scatter [tilespmem:s1], [sflag:$0x1], $0x80, v4, vm0, $0xb8;
	[tilespmem:$0x10200] =	vst v63  }
0x172: {  	s7 =	simm.s32 $0xE200  }
0x173: {  	[hbm4b:s3+s2] =	stream.indirect_vreg.scatter [tilespmem:s7], [sflag:$0x1], $0x80, v3, vm0, $0xb8;
	[tilespmem:$0x10200] =	vst v63  }
0x174: {  	s8 =	simm.s32 $0xEA00  }
0x175: {  	[hbm4b:s4+s2] =	stream.indirect_vreg.scatter [tilespmem:s8], [sflag:$0x1], $0x80, v3, vm0, $0xb8;
	[tilespmem:$0x10200] =	vst v63  }
0x176: {  	s10 =	simm.s32 $0xF200  }
0x177: {  	[hbm4b:s5+s2] =	stream.indirect_vreg.scatter [tilespmem:s10], [sflag:$0x1], $0x80, v3, vm0, $0xb8;
	[tilespmem:$0x10200] =	vst v63  }
0x178: {  	s20 =	simm.s32 $0xFA00  }
0x179: {  	[hbm4b:s6+s2] =	stream.indirect_vreg.scatter [tilespmem:s20], [sflag:$0x1], $0x80, v3, vm0, $0xb8;
	[tilespmem:$0x10200] =	vst v63  }
0x17a: {  	v3 =	vld [tilespmem:$0x8180];
	_ =	sdelay $0x4  }
0x17b: {  	v62 =	vshll.u32 v3, $0x3  }
0x17c: {  	v3 =	vand.u32 $0x7, v3;
	v4 =	vand.u32 $0xFFFFFFC0, v62  }
0x17d: {  	v3 =	vor.u32 v3, v4  }
0x17e: {  	v4 =	vperm.xlane v3, v0;
	_ =	sdelay $0x1  }
0x17f: {  	v4 =	vadd.s32 v1, v4;
	_ =	sdelay $0x4  }
0x180: {  	[hbm4b:s3+s2] =	stream.indirect_vreg.scatter [tilespmem:s23], [sflag:$0x1], $0x80, v4, vm0, $0xb8;
	[tilespmem:$0x10200] =	vst v63  }
0x181: {  	v3 =	vperm.xlane v3, v2  }
0x182: {  	[hbm4b:s4+s2] =	stream.indirect_vreg.scatter [tilespmem:s22], [sflag:$0x1], $0x80, v4, vm0, $0xb8;
	[tilespmem:$0x10200] =	vst v63  }
0x183: {  	v3 =	vadd.s32 v1, v3  }
0x184: {  	[hbm4b:s5+s2] =	stream.indirect_vreg.scatter [tilespmem:s16], [sflag:$0x1], $0x80, v4, vm0, $0xb8;
	[tilespmem:$0x10200] =	vst v63  }
0x185: {  	_ = 	snop  }
0x186: {  	[hbm4b:s6+s2] =	stream.indirect_vreg.scatter [tilespmem:s11], [sflag:$0x1], $0x80, v4, vm0, $0xb8;
	[tilespmem:$0x10200] =	vst v63  }
0x187: {  	_ = 	snop  }
0x188: {  	[hbm4b:s3+s2] =	stream.indirect_vreg.scatter [tilespmem:s13], [sflag:$0x1], $0x80, v3, vm0, $0xb8;
	[tilespmem:$0x10200] =	vst v63  }
0x189: {  	_ = 	snop  }
0x18a: {  	[hbm4b:s4+s2] =	stream.indirect_vreg.scatter [tilespmem:s15], [sflag:$0x1], $0x80, v3, vm0, $0xb8;
	[tilespmem:$0x10200] =	vst v63  }
0x18b: {  	_ = 	snop  }
0x18c: {  	[hbm4b:s5+s2] =	stream.indirect_vreg.scatter [tilespmem:s18], [sflag:$0x1], $0x80, v3, vm0, $0xb8;
	[tilespmem:$0x10200] =	vst v63  }
0x18d: {  	_ = 	snop  }
0x18e: {  	[hbm4b:s6+s2] =	stream.indirect_vreg.scatter [tilespmem:s12], [sflag:$0x1], $0x80, v3, vm0, $0xb8;
	[tilespmem:$0x10200] =	vst v63  }
0x18f: {  	v3 =	vld [tilespmem:$0x8190];
	_ =	sdelay $0x4  }
0x190: {  	v63 =	vshll.u32 v3, $0x3  }
0x191: {  	v3 =	vand.u32 $0x7, v3;
	v4 =	vand.u32 $0xFFFFFFC0, v63  }
0x192: {  	v3 =	vor.u32 v3, v4  }
0x193: {  	v4 =	vperm.xlane v3, v0;
	_ =	sdelay $0x1  }
0x194: {  	v4 =	vadd.s32 v1, v4;
	_ =	sdelay $0x4  }
0x195: {  	[hbm4b:s3+s2] =	stream.indirect_vreg.scatter [tilespmem:s14], [sflag:$0x1], $0x80, v4, vm0, $0xb8;
	[tilespmem:$0x10200] =	vst v63  }
0x196: {  	v3 =	vperm.xlane v3, v2  }
0x197: {  	[hbm4b:s4+s2] =	stream.indirect_vreg.scatter [tilespmem:s17], [sflag:$0x1], $0x80, v4, vm0, $0xb8;
	[tilespmem:$0x10200] =	vst v63  }
0x198: {  	v3 =	vadd.s32 v1, v3  }
0x199: {  	[hbm4b:s5+s2] =	stream.indirect_vreg.scatter [tilespmem:s0], [sflag:$0x1], $0x80, v4, vm0, $0xb8;
	[tilespmem:$0x10200] =	vst v63  }
0x19a: {  	_ = 	snop  }
0x19b: {  	[hbm4b:s6+s2] =	stream.indirect_vreg.scatter [tilespmem:s1], [sflag:$0x1], $0x80, v4, vm0, $0xb8;
	[tilespmem:$0x10200] =	vst v63  }
0x19c: {  	_ = 	snop  }
0x19d: {  	[hbm4b:s3+s2] =	stream.indirect_vreg.scatter [tilespmem:s7], [sflag:$0x1], $0x80, v3, vm0, $0xb8;
	[tilespmem:$0x10200] =	vst v63  }
0x19e: {  	_ = 	snop  }
0x19f: {  	[hbm4b:s4+s2] =	stream.indirect_vreg.scatter [tilespmem:s8], [sflag:$0x1], $0x80, v3, vm0, $0xb8;
	[tilespmem:$0x10200] =	vst v63  }
0x1a0: {  	_ = 	snop  }
0x1a1: {  	[hbm4b:s5+s2] =	stream.indirect_vreg.scatter [tilespmem:s10], [sflag:$0x1], $0x80, v3, vm0, $0xb8;
	[tilespmem:$0x10200] =	vst v63  }
0x1a2: {  	_ = 	snop  }
0x1a3: {  	[hbm4b:s6+s2] =	stream.indirect_vreg.scatter [tilespmem:s20], [sflag:$0x1], $0x80, v3, vm0, $0xb8;
	[tilespmem:$0x10200] =	vst v63  }
0x1a4: {  	_ =	swait.ge [sflag:s19], $0x8000  }
0x1a5: {  	[sflag:s19] =	ssyncset.done $0x0  }
0x1a6: {  	[sflag:s19] =	ssyncadd.s32 $0xFFFF8000  }
0x1a7: {  	_ =	swait.ge [sflag:s19], $0x8000  }
0x1a8: {  	[sflag:s19] =	ssyncset.done $0x0  }
0x1a9: {  	[sflag:s19] =	ssyncadd.s32 $0xFFFF8000  }
0x1aa: {  	_ =	swait.ge [sflag:s19], $0x8000  }
0x1ab: {  	[sflag:s19] =	ssyncset.done $0x0  }
0x1ac: {  	[sflag:s19] =	ssyncadd.s32 $0xFFFF8000  }
0x1ad: {  	_ =	swait.ge [sflag:s19], $0x8000  }
0x1ae: {  	[sflag:s19] =	ssyncset.done $0x0  }
0x1af: {  	[sflag:s19] =	ssyncadd.s32 $0xFFFF8000  }
0x1b0: {  	_ =	swait.ge [sflag:s19], $0x8000  }
0x1b1: {  	[sflag:s19] =	ssyncset.done $0x0  }
0x1b2: {  	[sflag:s19] =	ssyncadd.s32 $0xFFFF8000  }
0x1b3: {  	_ =	swait.ge [sflag:s19], $0x8000  }
0x1b4: {  	[sflag:s19] =	ssyncset.done $0x0  }
0x1b5: {  	[sflag:s19] =	ssyncadd.s32 $0xFFFF8000  }
0x1b6: {  	p0 =	sne.s32 s24, $0x1;
	_ =	swait.ge [sflag:s19], $0x8000  }
.Ltmp0:
0x1b7: {  	[sflag:s19] =	ssyncset.done $0x0;
	(pc) =	sbr.rel @p0 .LBB2_1-.Ltmp0, $4  }
0x1b8: {  	[sflag:s19] =	ssyncadd.s32 $0xFFFF8000  }
0x1b9: {  	_ =	swait.ge [sflag:s19], $0x8000  }
0x1ba: {  	[sflag:s19] =	ssyncset.done $0x0  }
0x1bb: {  	s24 =	sadd.s32 $0xFFFFFFFF, s24;
	[sflag:s19] =	ssyncadd.s32 $0xFFFF8000  }
0x1bc: {  	_ =	sfence.sel $0x180000  }
0x1bd: {  	[bflag:$0x0] =	sbarrier.arrive $0xFFFF  }
0x1be: {  	_ =	strace $0x90000047  }
0x1bf: {  	s0 =	stileid.u32;
	[bflag:$0x2] =	sbarrier.arrive $0xFFFF  }
0x1c0: {  	p0 =	sne.s32 s0, $0x0;
	s0 =	rddreg [dreg:$0x4]  }
0x1c1: {  	s0 =	sadd.s32 @!p0 $0x100000, s0  }
0x1c2: {  	[sflag:s0] =	ssyncadd.tile.s32 @!p0 $0x1;
	_ =	shalt  }
.Lfunc_end2:
_tile_overlayer_lowered:
.L_overlay_start_2:
0x1c3: {  	(tag) =	ssettag $0x2  }
0x1c4: {  	s0 =	rddreg [dreg:$0x0];
	s2 =	stileid.u32  }
0x1c5: {  	s1 =	rddreg [dreg:$0x1];
	p0 =	sne.s32 s2, $0x0  }
0x1c6: {  	s3 =	rddreg [dreg:$0x2];
	[bflag:$0x3] =	sbarrier.arrive $0xFFFF;
	s2 =	simm.s32 @!p0 $0x1C02  }
0x1c7: {  	[timem:s3], [sflag:s2] =	dma.local @!p0 [hbm:s0], s1  }
0x1c8: {  	s0 =	simm.s32 @!p0 $0x2  }
0x1c9: {  	_ =	swait.ge @!p0 [sflag:s0], s1  }
0x1ca: {  	s1 =	ssub.s32 @!p0 $0x0, s1;
	[sflag:s0] =	ssyncset.done @!p0 $0x0  }
0x1cb: {  	[sflag:s0] =	ssyncadd.s32 @!p0 s1  }
0x1cc: {  	[bflag:$0x3] =	sbarrier.arrive $0xFFFF  }
0x1cd: {  	_ =	shalt  }

</sc_bundles>
